<compile_context>
chip_gen: v7x
topology: tpu7x:2x2x1
jax: 0.10.2.dev20260603
libtpu: 0.0.44.dev20260713+nightly
codegen_flags: <defaults>
</compile_context>

<pallas_src>
import functools

import jax
import jax.numpy as jnp
from jax import lax
from jax.experimental import pallas as pl
from jax.experimental.pallas import tpu as pltpu
from jax.experimental.pallas import tpu_sc as plsc

N = 100000
D = 128
G = 512
CH = 3200
NW = 32
NPAD = CH * NW
NVEC = CH // 16
BLK = 25600
NBLK = NPAD // BLK


def _tc1_body(x_ref, w1_ref, b1_ref, wc_ref, y_ref):
    xb = x_ref[...].astype(jnp.bfloat16)
    h = jnp.dot(xb, w1_ref[...], preferred_element_type=jnp.float32)
    h = jnp.maximum(h.astype(jnp.bfloat16) + b1_ref[...], jnp.bfloat16(0.0))
    yT = lax.dot_general(wc_ref[...], h, (((0,), (1,)), ((), ())),
                         preferred_element_type=jnp.float32)
    y_ref[...] = yT


def _sc_body(y_hbm, ids_hbm, out_hbm, ids_v, y0_v, y1_v, a0, a1, ac):
    wid = lax.axis_index("s") * 2 + lax.axis_index("c")
    base = wid * CH

    pltpu.sync_copy(ids_hbm.at[pl.ds(base, CH)], ids_v)
    pltpu.sync_copy(y_hbm.at[pl.ds(base, CH)], y0_v)
    pltpu.sync_copy(y_hbm.at[pl.ds(NPAD + base, CH)], y1_v)

    zeros16 = jnp.zeros((16,), jnp.float32)
    for i in range(G // 16):
        a0[pl.ds(i * 16, 16)] = zeros16
        a1[pl.ds(i * 16, 16)] = zeros16
        ac[pl.ds(i * 16, 16)] = zeros16

    ones16 = jnp.ones((16,), jnp.float32)

    nvec = jnp.where(wid == NW - 1, (N - (NW - 1) * CH) // 16, NVEC)

    @plsc.parallel_loop(0, nvec * 16, 16, unroll=4)
    def _step(off):
        ids16 = ids_v[pl.ds(off, 16)]
        plsc.addupdate_scatter(a0, [ids16], y0_v[pl.ds(off, 16)])
        plsc.addupdate_scatter(a1, [ids16], y1_v[pl.ds(off, 16)])
        plsc.addupdate_scatter(ac, [ids16], ones16)

    pltpu.sync_copy(a0, out_hbm.at[pl.ds(wid * 3 * G, G)])
    pltpu.sync_copy(a1, out_hbm.at[pl.ds(wid * 3 * G + G, G)])
    pltpu.sync_copy(ac, out_hbm.at[pl.ds(wid * 3 * G + 2 * G, G)])


def _tc2_body(p_ref, bc_ref, bc0_ref, out_ref):
    a = jnp.sum(p_ref[...], axis=0)
    c = a[2:3, :]
    z = a[0:2, :] / jnp.maximum(c, 1.0) + bc_ref[...]
    z = jnp.where(c > 0.0, z, bc0_ref[...])
    zmax = jnp.max(z, axis=1, keepdims=True)
    e = jnp.exp(z - zmax)
    out_ref[...] = e / jnp.sum(e, axis=1, keepdims=True)


def kernel(x, batch, W1, b1, W2, b2, Wl1, bl1, Wl2, bl2):
    ids = jnp.zeros((NPAD,), jnp.int32).at[:N].set(batch.astype(jnp.int32))
    Wm = Wl1 @ Wl2
    Wc = (W2 @ Wm).astype(jnp.bfloat16)
    bc0 = bl1 @ Wl2 + bl2
    bc = (b2 @ Wm + bc0).reshape(2, 1)
    bc0 = bc0.reshape(2, 1)
    b1_2d = b1.reshape(1, 64).astype(jnp.bfloat16)
    W1 = W1.astype(jnp.bfloat16)

    y = pl.pallas_call(
        _tc1_body,
        grid=(NBLK,),
        in_specs=[
            pl.BlockSpec((BLK, D), lambda i: (i, 0)),
            pl.BlockSpec((D, 64), lambda i: (0, 0)),
            pl.BlockSpec((1, 64), lambda i: (0, 0)),
            pl.BlockSpec((64, 2), lambda i: (0, 0)),
        ],
        out_specs=pl.BlockSpec((2, BLK), lambda i: (0, i)),
        out_shape=jax.ShapeDtypeStruct((2, NPAD), jnp.float32),
    )(x, W1, b1_2d, Wc)

    partials = pl.kernel(
        _sc_body,
        mesh=plsc.VectorSubcoreMesh(core_axis_name="c", subcore_axis_name="s"),
        compiler_params=pltpu.CompilerParams(needs_layout_passes=False),
        out_type=jax.ShapeDtypeStruct((NW * 3 * G,), jnp.float32),
        scratch_types=[
            pltpu.VMEM((CH,), jnp.int32),
            pltpu.VMEM((CH,), jnp.float32),
            pltpu.VMEM((CH,), jnp.float32),
            pltpu.VMEM((G,), jnp.float32),
            pltpu.VMEM((G,), jnp.float32),
            pltpu.VMEM((G,), jnp.float32),
        ],
    )(y.reshape(2 * NPAD), ids)

    out = pl.pallas_call(
        _tc2_body,
        in_specs=[
            pl.BlockSpec((NW, 3, G), lambda: (0, 0, 0)),
            pl.BlockSpec((2, 1), lambda: (0, 0)),
            pl.BlockSpec((2, 1), lambda: (0, 0)),
        ],
        out_specs=pl.BlockSpec((2, G), lambda: (0, 0)),
        out_shape=jax.ShapeDtypeStruct((2, G), jnp.float32),
    )(partials.reshape(NW, 3, G), bc, bc0)
    return out.T

# --- scband reference (transcript-rebuilt; emitter-appended) ---
"""Pipeline reference for scband-deepset-39968965657065 (READ-ONLY COPY).

The authoritative reference and input builder live on the scoring server;
editing this copy changes nothing except your own understanding.
"""

import jax, jax.numpy as jnp
import numpy as np

N = 100000
D = 128
G = 512


def setup_inputs(seed: int = 0) -> dict:
    key = jax.random.key(seed)
    ks = jax.random.split(key, 12)
    x = jax.random.normal(ks[0], (N, D), dtype=jnp.float32)
    batch = jnp.sort(jax.random.randint(ks[1], (N,), 0, G, dtype=jnp.int64))
    # GCNConv weights (with empty edge_index + default self-loops, GCNConv reduces to x @ W + b)
    W1 = jax.random.normal(ks[2], (D, 64), dtype=jnp.float32) * 0.05
    b1 = jnp.zeros((64,), dtype=jnp.float32)
    W2 = jax.random.normal(ks[3], (64, 64), dtype=jnp.float32) * 0.05
    b2 = jnp.zeros((64,), dtype=jnp.float32)
    Wl1 = jax.random.normal(ks[4], (64, 32), dtype=jnp.float32) * 0.05
    bl1 = jnp.zeros((32,), dtype=jnp.float32)
    Wl2 = jax.random.normal(ks[5], (32, 2), dtype=jnp.float32) * 0.05
    bl2 = jnp.zeros((2,), dtype=jnp.float32)
    return {"x": x, "batch": batch, "W1": W1, "b1": b1, "W2": W2, "b2": b2,
            "Wl1": Wl1, "bl1": bl1, "Wl2": Wl2, "bl2": bl2}


def reference(x, batch, W1, b1, W2, b2, Wl1, bl1, Wl2, bl2):
    # conv1: GCNConv with empty edge_index -> only self-loops, norm == 1 -> linear
    h = x @ W1 + b1
    h = jax.nn.relu(h)
    # dropout is identity in eval mode (self.training == False)
    # conv2
    h = h @ W2 + b2
    # global_mean_pool over batch vector (segment mean)
    sums = jax.ops.segment_sum(h, batch, num_segments=G)
    counts = jax.ops.segment_sum(jnp.ones((N,), dtype=jnp.float32), batch, num_segments=G)
    pooled = sums / jnp.clip(counts, 1.0)[:, None]
    z = pooled @ Wl1 + bl1
    z = z @ Wl2 + bl2
    return jax.nn.softmax(z, axis=0)

if __name__ == "__main__":
    import jax
    _d = setup_inputs()
    print(jax.jit(kernel)(*tuple(_d.values())))

</pallas_src>

<mosaic_0001>
#map = affine_map<(d0, d1) -> (0)>
module attributes {stable_mosaic.version = 14 : i64} {
  func.func @_sc_body(%arg0: i32, %arg1: i32, %arg2: memref<204800xf32, #tpu.memory_space<hbm>>, %arg3: memref<102400xi32, #tpu.memory_space<hbm>>, %arg4: memref<49152xf32, #tpu.memory_space<hbm>>, %arg5: memref<3200xi32, #tpu.memory_space<vmem>>, %arg6: memref<3200xf32, #tpu.memory_space<vmem>>, %arg7: memref<3200xf32, #tpu.memory_space<vmem>>, %arg8: memref<512xf32, #tpu.memory_space<vmem>>, %arg9: memref<512xf32, #tpu.memory_space<vmem>>, %arg10: memref<512xf32, #tpu.memory_space<vmem>>) attributes {dimension_semantics = [#tpu.dimension_semantics<core_parallel>, #tpu.dimension_semantics<subcore_parallel>], iteration_bounds = array<i64: 2, 16>, scalar_prefetch = 0 : i64, scratch_operands = 6 : i64, tpu.core_type = #tpu.core_type<sc_vector_subcore>, window_params = [{transform_indices = #map}, {transform_indices = #map}, {transform_indices = #map}]} {
    %mul3A = arith.constant 2 : i32
    %mul3A_0 = arith.muli %arg1, %mul3A : i32
    %add3A = arith.addi %mul3A_0, %arg0 : i32
    %mul3A_1 = arith.constant 3200 : i32
    %mul3A_2 = arith.muli %add3A, %mul3A_1 : i32
    "tpu.region"() ({
      %run_scoped3A = tpu.sem_alloc : memref<!tpu.dma_semaphore, #tpu.memory_space<semaphore_mem>>
      %dma_start3A = tpu.memref_slice %arg3[%mul3A_2] : memref<102400xi32, #tpu.memory_space<hbm>> -> memref<3200xi32, #tpu.memory_space<hbm>>
      %dma_start3A_220 = tpu.memref_slice %arg3[%mul3A_2] : memref<102400xi32, #tpu.memory_space<hbm>> -> memref<3200xi32, #tpu.memory_space<hbm>>
      tpu.enqueue_dma source(%dma_start3A_220 : memref<3200xi32, #tpu.memory_space<hbm>>) target(%arg5 : memref<3200xi32, #tpu.memory_space<vmem>>) target_semaphore(%run_scoped3A : memref<!tpu.dma_semaphore, #tpu.memory_space<semaphore_mem>>)
      %dma_wait3A = tpu.memref_slice %arg3[%mul3A_2] : memref<102400xi32, #tpu.memory_space<hbm>> -> memref<3200xi32, #tpu.memory_space<hbm>>
      %dma_wait3A_221 = tpu.memref_slice %arg3[%mul3A_2] : memref<102400xi32, #tpu.memory_space<hbm>> -> memref<3200xi32, #tpu.memory_space<hbm>>
      tpu.wait_dma2 semaphore(%run_scoped3A : memref<!tpu.dma_semaphore, #tpu.memory_space<semaphore_mem>>) src(%dma_wait3A_221 : memref<3200xi32, #tpu.memory_space<hbm>>) dst(%arg5 : memref<3200xi32, #tpu.memory_space<vmem>>)
      tpu.yield
    }) : () -> ()
    "tpu.region"() ({
      %run_scoped3A = tpu.sem_alloc : memref<!tpu.dma_semaphore, #tpu.memory_space<semaphore_mem>>
      %dma_start3A = tpu.memref_slice %arg2[%mul3A_2] : memref<204800xf32, #tpu.memory_space<hbm>> -> memref<3200xf32, #tpu.memory_space<hbm>>
      %dma_start3A_220 = tpu.memref_slice %arg2[%mul3A_2] : memref<204800xf32, #tpu.memory_space<hbm>> -> memref<3200xf32, #tpu.memory_space<hbm>>
      tpu.enqueue_dma source(%dma_start3A_220 : memref<3200xf32, #tpu.memory_space<hbm>>) target(%arg6 : memref<3200xf32, #tpu.memory_space<vmem>>) target_semaphore(%run_scoped3A : memref<!tpu.dma_semaphore, #tpu.memory_space<semaphore_mem>>)
      %dma_wait3A = tpu.memref_slice %arg2[%mul3A_2] : memref<204800xf32, #tpu.memory_space<hbm>> -> memref<3200xf32, #tpu.memory_space<hbm>>
      %dma_wait3A_221 = tpu.memref_slice %arg2[%mul3A_2] : memref<204800xf32, #tpu.memory_space<hbm>> -> memref<3200xf32, #tpu.memory_space<hbm>>
      tpu.wait_dma2 semaphore(%run_scoped3A : memref<!tpu.dma_semaphore, #tpu.memory_space<semaphore_mem>>) src(%dma_wait3A_221 : memref<3200xf32, #tpu.memory_space<hbm>>) dst(%arg6 : memref<3200xf32, #tpu.memory_space<vmem>>)
      tpu.yield
    }) : () -> ()
    %add3A_3 = arith.constant 102400 : i32
    %add3A_4 = arith.addi %add3A_3, %mul3A_2 : i32
    "tpu.region"() ({
      %run_scoped3A = tpu.sem_alloc : memref<!tpu.dma_semaphore, #tpu.memory_space<semaphore_mem>>
      %dma_start3A = tpu.memref_slice %arg2[%add3A_4] : memref<204800xf32, #tpu.memory_space<hbm>> -> memref<3200xf32, #tpu.memory_space<hbm>>
      %dma_start3A_220 = tpu.memref_slice %arg2[%add3A_4] : memref<204800xf32, #tpu.memory_space<hbm>> -> memref<3200xf32, #tpu.memory_space<hbm>>
      tpu.enqueue_dma source(%dma_start3A_220 : memref<3200xf32, #tpu.memory_space<hbm>>) target(%arg7 : memref<3200xf32, #tpu.memory_space<vmem>>) target_semaphore(%run_scoped3A : memref<!tpu.dma_semaphore, #tpu.memory_space<semaphore_mem>>)
      %dma_wait3A = tpu.memref_slice %arg2[%add3A_4] : memref<204800xf32, #tpu.memory_space<hbm>> -> memref<3200xf32, #tpu.memory_space<hbm>>
      %dma_wait3A_221 = tpu.memref_slice %arg2[%add3A_4] : memref<204800xf32, #tpu.memory_space<hbm>> -> memref<3200xf32, #tpu.memory_space<hbm>>
      tpu.wait_dma2 semaphore(%run_scoped3A : memref<!tpu.dma_semaphore, #tpu.memory_space<semaphore_mem>>) src(%dma_wait3A_221 : memref<3200xf32, #tpu.memory_space<hbm>>) dst(%arg7 : memref<3200xf32, #tpu.memory_space<vmem>>)
      tpu.yield
    }) : () -> ()
    %broadcast_in_dim3A = arith.constant 0.000000e+00 : f32
    %broadcast_in_dim3A_5 = vector.broadcast %broadcast_in_dim3A : f32 to vector<16xf32>
    %swap3A = arith.constant 0 : index
    %swap3A_6 = tpu.vector_load %arg8[%swap3A] {strides = array<i32>} : memref<512xf32, #tpu.memory_space<vmem>>, vector<16xf32>,
    tpu.vector_store %arg8[%swap3A], %broadcast_in_dim3A_5 {strides = array<i32>} : memref<512xf32, #tpu.memory_space<vmem>>, vector<16xf32>,
    %swap3A_7 = arith.constant 0 : index
    %swap3A_8 = tpu.vector_load %arg9[%swap3A_7] {strides = array<i32>} : memref<512xf32, #tpu.memory_space<vmem>>, vector<16xf32>,
    tpu.vector_store %arg9[%swap3A_7], %broadcast_in_dim3A_5 {strides = array<i32>} : memref<512xf32, #tpu.memory_space<vmem>>, vector<16xf32>,
    %swap3A_9 = arith.constant 0 : index
    %swap3A_10 = tpu.vector_load %arg10[%swap3A_9] {strides = array<i32>} : memref<512xf32, #tpu.memory_space<vmem>>, vector<16xf32>,
    tpu.vector_store %arg10[%swap3A_9], %broadcast_in_dim3A_5 {strides = array<i32>} : memref<512xf32, #tpu.memory_space<vmem>>, vector<16xf32>,
    %swap3A_11 = arith.constant 16 : index
    %swap3A_12 = tpu.vector_load %arg8[%swap3A_11] {strides = array<i32>} : memref<512xf32, #tpu.memory_space<vmem>>, vector<16xf32>,
    tpu.vector_store %arg8[%swap3A_11], %broadcast_in_dim3A_5 {strides = array<i32>} : memref<512xf32, #tpu.memory_space<vmem>>, vector<16xf32>,
    %swap3A_13 = arith.constant 16 : index
    %swap3A_14 = tpu.vector_load %arg9[%swap3A_13] {strides = array<i32>} : memref<512xf32, #tpu.memory_space<vmem>>, vector<16xf32>,
    tpu.vector_store %arg9[%swap3A_13], %broadcast_in_dim3A_5 {strides = array<i32>} : memref<512xf32, #tpu.memory_space<vmem>>, vector<16xf32>,
    %swap3A_15 = arith.constant 16 : index
    %swap3A_16 = tpu.vector_load %arg10[%swap3A_15] {strides = array<i32>} : memref<512xf32, #tpu.memory_space<vmem>>, vector<16xf32>,
    tpu.vector_store %arg10[%swap3A_15], %broadcast_in_dim3A_5 {strides = array<i32>} : memref<512xf32, #tpu.memory_space<vmem>>, vector<16xf32>,
    %swap3A_17 = arith.constant 32 : index
    %swap3A_18 = tpu.vector_load %arg8[%swap3A_17] {strides = array<i32>} : memref<512xf32, #tpu.memory_space<vmem>>, vector<16xf32>,
    tpu.vector_store %arg8[%swap3A_17], %broadcast_in_dim3A_5 {strides = array<i32>} : memref<512xf32, #tpu.memory_space<vmem>>, vector<16xf32>,
    %swap3A_19 = arith.constant 32 : index
    %swap3A_20 = tpu.vector_load %arg9[%swap3A_19] {strides = array<i32>} : memref<512xf32, #tpu.memory_space<vmem>>, vector<16xf32>,
    tpu.vector_store %arg9[%swap3A_19], %broadcast_in_dim3A_5 {strides = array<i32>} : memref<512xf32, #tpu.memory_space<vmem>>, vector<16xf32>,
    %swap3A_21 = arith.constant 32 : index
    %swap3A_22 = tpu.vector_load %arg10[%swap3A_21] {strides = array<i32>} : memref<512xf32, #tpu.memory_space<vmem>>, vector<16xf32>,
    tpu.vector_store %arg10[%swap3A_21], %broadcast_in_dim3A_5 {strides = array<i32>} : memref<512xf32, #tpu.memory_space<vmem>>, vector<16xf32>,
    %swap3A_23 = arith.constant 48 : index
    %swap3A_24 = tpu.vector_load %arg8[%swap3A_23] {strides = array<i32>} : memref<512xf32, #tpu.memory_space<vmem>>, vector<16xf32>,
    tpu.vector_store %arg8[%swap3A_23], %broadcast_in_dim3A_5 {strides = array<i32>} : memref<512xf32, #tpu.memory_space<vmem>>, vector<16xf32>,
    %swap3A_25 = arith.constant 48 : index
    %swap3A_26 = tpu.vector_load %arg9[%swap3A_25] {strides = array<i32>} : memref<512xf32, #tpu.memory_space<vmem>>, vector<16xf32>,
    tpu.vector_store %arg9[%swap3A_25], %broadcast_in_dim3A_5 {strides = array<i32>} : memref<512xf32, #tpu.memory_space<vmem>>, vector<16xf32>,
    %swap3A_27 = arith.constant 48 : index
    %swap3A_28 = tpu.vector_load %arg10[%swap3A_27] {strides = array<i32>} : memref<512xf32, #tpu.memory_space<vmem>>, vector<16xf32>,
    tpu.vector_store %arg10[%swap3A_27], %broadcast_in_dim3A_5 {strides = array<i32>} : memref<512xf32, #tpu.memory_space<vmem>>, vector<16xf32>,
    %swap3A_29 = arith.constant 64 : index
    %swap3A_30 = tpu.vector_load %arg8[%swap3A_29] {strides = array<i32>} : memref<512xf32, #tpu.memory_space<vmem>>, vector<16xf32>,
    tpu.vector_store %arg8[%swap3A_29], %broadcast_in_dim3A_5 {strides = array<i32>} : memref<512xf32, #tpu.memory_space<vmem>>, vector<16xf32>,
    %swap3A_31 = arith.constant 64 : index
    %swap3A_32 = tpu.vector_load %arg9[%swap3A_31] {strides = array<i32>} : memref<512xf32, #tpu.memory_space<vmem>>, vector<16xf32>,
    tpu.vector_store %arg9[%swap3A_31], %broadcast_in_dim3A_5 {strides = array<i32>} : memref<512xf32, #tpu.memory_space<vmem>>, vector<16xf32>,
    %swap3A_33 = arith.constant 64 : index
    %swap3A_34 = tpu.vector_load %arg10[%swap3A_33] {strides = array<i32>} : memref<512xf32, #tpu.memory_space<vmem>>, vector<16xf32>,
    tpu.vector_store %arg10[%swap3A_33], %broadcast_in_dim3A_5 {strides = array<i32>} : memref<512xf32, #tpu.memory_space<vmem>>, vector<16xf32>,
    %swap3A_35 = arith.constant 80 : index
    %swap3A_36 = tpu.vector_load %arg8[%swap3A_35] {strides = array<i32>} : memref<512xf32, #tpu.memory_space<vmem>>, vector<16xf32>,
    tpu.vector_store %arg8[%swap3A_35], %broadcast_in_dim3A_5 {strides = array<i32>} : memref<512xf32, #tpu.memory_space<vmem>>, vector<16xf32>,
    %swap3A_37 = arith.constant 80 : index
    %swap3A_38 = tpu.vector_load %arg9[%swap3A_37] {strides = array<i32>} : memref<512xf32, #tpu.memory_space<vmem>>, vector<16xf32>,
    tpu.vector_store %arg9[%swap3A_37], %broadcast_in_dim3A_5 {strides = array<i32>} : memref<512xf32, #tpu.memory_space<vmem>>, vector<16xf32>,
    %swap3A_39 = arith.constant 80 : index
    %swap3A_40 = tpu.vector_load %arg10[%swap3A_39] {strides = array<i32>} : memref<512xf32, #tpu.memory_space<vmem>>, vector<16xf32>,
    tpu.vector_store %arg10[%swap3A_39], %broadcast_in_dim3A_5 {strides = array<i32>} : memref<512xf32, #tpu.memory_space<vmem>>, vector<16xf32>,
    %swap3A_41 = arith.constant 96 : index
    %swap3A_42 = tpu.vector_load %arg8[%swap3A_41] {strides = array<i32>} : memref<512xf32, #tpu.memory_space<vmem>>, vector<16xf32>,
    tpu.vector_store %arg8[%swap3A_41], %broadcast_in_dim3A_5 {strides = array<i32>} : memref<512xf32, #tpu.memory_space<vmem>>, vector<16xf32>,
    %swap3A_43 = arith.constant 96 : index
    %swap3A_44 = tpu.vector_load %arg9[%swap3A_43] {strides = array<i32>} : memref<512xf32, #tpu.memory_space<vmem>>, vector<16xf32>,
    tpu.vector_store %arg9[%swap3A_43], %broadcast_in_dim3A_5 {strides = array<i32>} : memref<512xf32, #tpu.memory_space<vmem>>, vector<16xf32>,
    %swap3A_45 = arith.constant 96 : index
    %swap3A_46 = tpu.vector_load %arg10[%swap3A_45] {strides = array<i32>} : memref<512xf32, #tpu.memory_space<vmem>>, vector<16xf32>,
    tpu.vector_store %arg10[%swap3A_45], %broadcast_in_dim3A_5 {strides = array<i32>} : memref<512xf32, #tpu.memory_space<vmem>>, vector<16xf32>,
    %swap3A_47 = arith.constant 112 : index
    %swap3A_48 = tpu.vector_load %arg8[%swap3A_47] {strides = array<i32>} : memref<512xf32, #tpu.memory_space<vmem>>, vector<16xf32>,
    tpu.vector_store %arg8[%swap3A_47], %broadcast_in_dim3A_5 {strides = array<i32>} : memref<512xf32, #tpu.memory_space<vmem>>, vector<16xf32>,
    %swap3A_49 = arith.constant 112 : index
    %swap3A_50 = tpu.vector_load %arg9[%swap3A_49] {strides = array<i32>} : memref<512xf32, #tpu.memory_space<vmem>>, vector<16xf32>,
    tpu.vector_store %arg9[%swap3A_49], %broadcast_in_dim3A_5 {strides = array<i32>} : memref<512xf32, #tpu.memory_space<vmem>>, vector<16xf32>,
    %swap3A_51 = arith.constant 112 : index
    %swap3A_52 = tpu.vector_load %arg10[%swap3A_51] {strides = array<i32>} : memref<512xf32, #tpu.memory_space<vmem>>, vector<16xf32>,
    tpu.vector_store %arg10[%swap3A_51], %broadcast_in_dim3A_5 {strides = array<i32>} : memref<512xf32, #tpu.memory_space<vmem>>, vector<16xf32>,
    %swap3A_53 = arith.constant 128 : index
    %swap3A_54 = tpu.vector_load %arg8[%swap3A_53] {strides = array<i32>} : memref<512xf32, #tpu.memory_space<vmem>>, vector<16xf32>,
    tpu.vector_store %arg8[%swap3A_53], %broadcast_in_dim3A_5 {strides = array<i32>} : memref<512xf32, #tpu.memory_space<vmem>>, vector<16xf32>,
    %swap3A_55 = arith.constant 128 : index
    %swap3A_56 = tpu.vector_load %arg9[%swap3A_55] {strides = array<i32>} : memref<512xf32, #tpu.memory_space<vmem>>, vector<16xf32>,
    tpu.vector_store %arg9[%swap3A_55], %broadcast_in_dim3A_5 {strides = array<i32>} : memref<512xf32, #tpu.memory_space<vmem>>, vector<16xf32>,
    %swap3A_57 = arith.constant 128 : index
    %swap3A_58 = tpu.vector_load %arg10[%swap3A_57] {strides = array<i32>} : memref<512xf32, #tpu.memory_space<vmem>>, vector<16xf32>,
    tpu.vector_store %arg10[%swap3A_57], %broadcast_in_dim3A_5 {strides = array<i32>} : memref<512xf32, #tpu.memory_space<vmem>>, vector<16xf32>,
    %swap3A_59 = arith.constant 144 : index
    %swap3A_60 = tpu.vector_load %arg8[%swap3A_59] {strides = array<i32>} : memref<512xf32, #tpu.memory_space<vmem>>, vector<16xf32>,
    tpu.vector_store %arg8[%swap3A_59], %broadcast_in_dim3A_5 {strides = array<i32>} : memref<512xf32, #tpu.memory_space<vmem>>, vector<16xf32>,
    %swap3A_61 = arith.constant 144 : index
    %swap3A_62 = tpu.vector_load %arg9[%swap3A_61] {strides = array<i32>} : memref<512xf32, #tpu.memory_space<vmem>>, vector<16xf32>,
    tpu.vector_store %arg9[%swap3A_61], %broadcast_in_dim3A_5 {strides = array<i32>} : memref<512xf32, #tpu.memory_space<vmem>>, vector<16xf32>,
    %swap3A_63 = arith.constant 144 : index
    %swap3A_64 = tpu.vector_load %arg10[%swap3A_63] {strides = array<i32>} : memref<512xf32, #tpu.memory_space<vmem>>, vector<16xf32>,
    tpu.vector_store %arg10[%swap3A_63], %broadcast_in_dim3A_5 {strides = array<i32>} : memref<512xf32, #tpu.memory_space<vmem>>, vector<16xf32>,
    %swap3A_65 = arith.constant 160 : index
    %swap3A_66 = tpu.vector_load %arg8[%swap3A_65] {strides = array<i32>} : memref<512xf32, #tpu.memory_space<vmem>>, vector<16xf32>,
    tpu.vector_store %arg8[%swap3A_65], %broadcast_in_dim3A_5 {strides = array<i32>} : memref<512xf32, #tpu.memory_space<vmem>>, vector<16xf32>,
    %swap3A_67 = arith.constant 160 : index
    %swap3A_68 = tpu.vector_load %arg9[%swap3A_67] {strides = array<i32>} : memref<512xf32, #tpu.memory_space<vmem>>, vector<16xf32>,
    tpu.vector_store %arg9[%swap3A_67], %broadcast_in_dim3A_5 {strides = array<i32>} : memref<512xf32, #tpu.memory_space<vmem>>, vector<16xf32>,
    %swap3A_69 = arith.constant 160 : index
    %swap3A_70 = tpu.vector_load %arg10[%swap3A_69] {strides = array<i32>} : memref<512xf32, #tpu.memory_space<vmem>>, vector<16xf32>,
    tpu.vector_store %arg10[%swap3A_69], %broadcast_in_dim3A_5 {strides = array<i32>} : memref<512xf32, #tpu.memory_space<vmem>>, vector<16xf32>,
    %swap3A_71 = arith.constant 176 : index
    %swap3A_72 = tpu.vector_load %arg8[%swap3A_71] {strides = array<i32>} : memref<512xf32, #tpu.memory_space<vmem>>, vector<16xf32>,
    tpu.vector_store %arg8[%swap3A_71], %broadcast_in_dim3A_5 {strides = array<i32>} : memref<512xf32, #tpu.memory_space<vmem>>, vector<16xf32>,
    %swap3A_73 = arith.constant 176 : index
    %swap3A_74 = tpu.vector_load %arg9[%swap3A_73] {strides = array<i32>} : memref<512xf32, #tpu.memory_space<vmem>>, vector<16xf32>,
    tpu.vector_store %arg9[%swap3A_73], %broadcast_in_dim3A_5 {strides = array<i32>} : memref<512xf32, #tpu.memory_space<vmem>>, vector<16xf32>,
    %swap3A_75 = arith.constant 176 : index
    %swap3A_76 = tpu.vector_load %arg10[%swap3A_75] {strides = array<i32>} : memref<512xf32, #tpu.memory_space<vmem>>, vector<16xf32>,
    tpu.vector_store %arg10[%swap3A_75], %broadcast_in_dim3A_5 {strides = array<i32>} : memref<512xf32, #tpu.memory_space<vmem>>, vector<16xf32>,
    %swap3A_77 = arith.constant 192 : index
    %swap3A_78 = tpu.vector_load %arg8[%swap3A_77] {strides = array<i32>} : memref<512xf32, #tpu.memory_space<vmem>>, vector<16xf32>,
    tpu.vector_store %arg8[%swap3A_77], %broadcast_in_dim3A_5 {strides = array<i32>} : memref<512xf32, #tpu.memory_space<vmem>>, vector<16xf32>,
    %swap3A_79 = arith.constant 192 : index
    %swap3A_80 = tpu.vector_load %arg9[%swap3A_79] {strides = array<i32>} : memref<512xf32, #tpu.memory_space<vmem>>, vector<16xf32>,
    tpu.vector_store %arg9[%swap3A_79], %broadcast_in_dim3A_5 {strides = array<i32>} : memref<512xf32, #tpu.memory_space<vmem>>, vector<16xf32>,
    %swap3A_81 = arith.constant 192 : index
    %swap3A_82 = tpu.vector_load %arg10[%swap3A_81] {strides = array<i32>} : memref<512xf32, #tpu.memory_space<vmem>>, vector<16xf32>,
    tpu.vector_store %arg10[%swap3A_81], %broadcast_in_dim3A_5 {strides = array<i32>} : memref<512xf32, #tpu.memory_space<vmem>>, vector<16xf32>,
    %swap3A_83 = arith.constant 208 : index
    %swap3A_84 = tpu.vector_load %arg8[%swap3A_83] {strides = array<i32>} : memref<512xf32, #tpu.memory_space<vmem>>, vector<16xf32>,
    tpu.vector_store %arg8[%swap3A_83], %broadcast_in_dim3A_5 {strides = array<i32>} : memref<512xf32, #tpu.memory_space<vmem>>, vector<16xf32>,
    %swap3A_85 = arith.constant 208 : index
    %swap3A_86 = tpu.vector_load %arg9[%swap3A_85] {strides = array<i32>} : memref<512xf32, #tpu.memory_space<vmem>>, vector<16xf32>,
    tpu.vector_store %arg9[%swap3A_85], %broadcast_in_dim3A_5 {strides = array<i32>} : memref<512xf32, #tpu.memory_space<vmem>>, vector<16xf32>,
    %swap3A_87 = arith.constant 208 : index
    %swap3A_88 = tpu.vector_load %arg10[%swap3A_87] {strides = array<i32>} : memref<512xf32, #tpu.memory_space<vmem>>, vector<16xf32>,
    tpu.vector_store %arg10[%swap3A_87], %broadcast_in_dim3A_5 {strides = array<i32>} : memref<512xf32, #tpu.memory_space<vmem>>, vector<16xf32>,
    %swap3A_89 = arith.constant 224 : index
    %swap3A_90 = tpu.vector_load %arg8[%swap3A_89] {strides = array<i32>} : memref<512xf32, #tpu.memory_space<vmem>>, vector<16xf32>,
    tpu.vector_store %arg8[%swap3A_89], %broadcast_in_dim3A_5 {strides = array<i32>} : memref<512xf32, #tpu.memory_space<vmem>>, vector<16xf32>,
    %swap3A_91 = arith.constant 224 : index
    %swap3A_92 = tpu.vector_load %arg9[%swap3A_91] {strides = array<i32>} : memref<512xf32, #tpu.memory_space<vmem>>, vector<16xf32>,
    tpu.vector_store %arg9[%swap3A_91], %broadcast_in_dim3A_5 {strides = array<i32>} : memref<512xf32, #tpu.memory_space<vmem>>, vector<16xf32>,
    %swap3A_93 = arith.constant 224 : index
    %swap3A_94 = tpu.vector_load %arg10[%swap3A_93] {strides = array<i32>} : memref<512xf32, #tpu.memory_space<vmem>>, vector<16xf32>,
    tpu.vector_store %arg10[%swap3A_93], %broadcast_in_dim3A_5 {strides = array<i32>} : memref<512xf32, #tpu.memory_space<vmem>>, vector<16xf32>,
    %swap3A_95 = arith.constant 240 : index
    %swap3A_96 = tpu.vector_load %arg8[%swap3A_95] {strides = array<i32>} : memref<512xf32, #tpu.memory_space<vmem>>, vector<16xf32>,
    tpu.vector_store %arg8[%swap3A_95], %broadcast_in_dim3A_5 {strides = array<i32>} : memref<512xf32, #tpu.memory_space<vmem>>, vector<16xf32>,
    %swap3A_97 = arith.constant 240 : index
    %swap3A_98 = tpu.vector_load %arg9[%swap3A_97] {strides = array<i32>} : memref<512xf32, #tpu.memory_space<vmem>>, vector<16xf32>,
    tpu.vector_store %arg9[%swap3A_97], %broadcast_in_dim3A_5 {strides = array<i32>} : memref<512xf32, #tpu.memory_space<vmem>>, vector<16xf32>,
    %swap3A_99 = arith.constant 240 : index
    %swap3A_100 = tpu.vector_load %arg10[%swap3A_99] {strides = array<i32>} : memref<512xf32, #tpu.memory_space<vmem>>, vector<16xf32>,
    tpu.vector_store %arg10[%swap3A_99], %broadcast_in_dim3A_5 {strides = array<i32>} : memref<512xf32, #tpu.memory_space<vmem>>, vector<16xf32>,
    %swap3A_101 = arith.constant 256 : index
    %swap3A_102 = tpu.vector_load %arg8[%swap3A_101] {strides = array<i32>} : memref<512xf32, #tpu.memory_space<vmem>>, vector<16xf32>,
    tpu.vector_store %arg8[%swap3A_101], %broadcast_in_dim3A_5 {strides = array<i32>} : memref<512xf32, #tpu.memory_space<vmem>>, vector<16xf32>,
    %swap3A_103 = arith.constant 256 : index
    %swap3A_104 = tpu.vector_load %arg9[%swap3A_103] {strides = array<i32>} : memref<512xf32, #tpu.memory_space<vmem>>, vector<16xf32>,
    tpu.vector_store %arg9[%swap3A_103], %broadcast_in_dim3A_5 {strides = array<i32>} : memref<512xf32, #tpu.memory_space<vmem>>, vector<16xf32>,
    %swap3A_105 = arith.constant 256 : index
    %swap3A_106 = tpu.vector_load %arg10[%swap3A_105] {strides = array<i32>} : memref<512xf32, #tpu.memory_space<vmem>>, vector<16xf32>,
    tpu.vector_store %arg10[%swap3A_105], %broadcast_in_dim3A_5 {strides = array<i32>} : memref<512xf32, #tpu.memory_space<vmem>>, vector<16xf32>,
    %swap3A_107 = arith.constant 272 : index
    %swap3A_108 = tpu.vector_load %arg8[%swap3A_107] {strides = array<i32>} : memref<512xf32, #tpu.memory_space<vmem>>, vector<16xf32>,
    tpu.vector_store %arg8[%swap3A_107], %broadcast_in_dim3A_5 {strides = array<i32>} : memref<512xf32, #tpu.memory_space<vmem>>, vector<16xf32>,
    %swap3A_109 = arith.constant 272 : index
    %swap3A_110 = tpu.vector_load %arg9[%swap3A_109] {strides = array<i32>} : memref<512xf32, #tpu.memory_space<vmem>>, vector<16xf32>,
    tpu.vector_store %arg9[%swap3A_109], %broadcast_in_dim3A_5 {strides = array<i32>} : memref<512xf32, #tpu.memory_space<vmem>>, vector<16xf32>,
    %swap3A_111 = arith.constant 272 : index
    %swap3A_112 = tpu.vector_load %arg10[%swap3A_111] {strides = array<i32>} : memref<512xf32, #tpu.memory_space<vmem>>, vector<16xf32>,
    tpu.vector_store %arg10[%swap3A_111], %broadcast_in_dim3A_5 {strides = array<i32>} : memref<512xf32, #tpu.memory_space<vmem>>, vector<16xf32>,
    %swap3A_113 = arith.constant 288 : index
    %swap3A_114 = tpu.vector_load %arg8[%swap3A_113] {strides = array<i32>} : memref<512xf32, #tpu.memory_space<vmem>>, vector<16xf32>,
    tpu.vector_store %arg8[%swap3A_113], %broadcast_in_dim3A_5 {strides = array<i32>} : memref<512xf32, #tpu.memory_space<vmem>>, vector<16xf32>,
    %swap3A_115 = arith.constant 288 : index
    %swap3A_116 = tpu.vector_load %arg9[%swap3A_115] {strides = array<i32>} : memref<512xf32, #tpu.memory_space<vmem>>, vector<16xf32>,
    tpu.vector_store %arg9[%swap3A_115], %broadcast_in_dim3A_5 {strides = array<i32>} : memref<512xf32, #tpu.memory_space<vmem>>, vector<16xf32>,
    %swap3A_117 = arith.constant 288 : index
    %swap3A_118 = tpu.vector_load %arg10[%swap3A_117] {strides = array<i32>} : memref<512xf32, #tpu.memory_space<vmem>>, vector<16xf32>,
    tpu.vector_store %arg10[%swap3A_117], %broadcast_in_dim3A_5 {strides = array<i32>} : memref<512xf32, #tpu.memory_space<vmem>>, vector<16xf32>,
    %swap3A_119 = arith.constant 304 : index
    %swap3A_120 = tpu.vector_load %arg8[%swap3A_119] {strides = array<i32>} : memref<512xf32, #tpu.memory_space<vmem>>, vector<16xf32>,
    tpu.vector_store %arg8[%swap3A_119], %broadcast_in_dim3A_5 {strides = array<i32>} : memref<512xf32, #tpu.memory_space<vmem>>, vector<16xf32>,
    %swap3A_121 = arith.constant 304 : index
    %swap3A_122 = tpu.vector_load %arg9[%swap3A_121] {strides = array<i32>} : memref<512xf32, #tpu.memory_space<vmem>>, vector<16xf32>,
    tpu.vector_store %arg9[%swap3A_121], %broadcast_in_dim3A_5 {strides = array<i32>} : memref<512xf32, #tpu.memory_space<vmem>>, vector<16xf32>,
    %swap3A_123 = arith.constant 304 : index
    %swap3A_124 = tpu.vector_load %arg10[%swap3A_123] {strides = array<i32>} : memref<512xf32, #tpu.memory_space<vmem>>, vector<16xf32>,
    tpu.vector_store %arg10[%swap3A_123], %broadcast_in_dim3A_5 {strides = array<i32>} : memref<512xf32, #tpu.memory_space<vmem>>, vector<16xf32>,
    %swap3A_125 = arith.constant 320 : index
    %swap3A_126 = tpu.vector_load %arg8[%swap3A_125] {strides = array<i32>} : memref<512xf32, #tpu.memory_space<vmem>>, vector<16xf32>,
    tpu.vector_store %arg8[%swap3A_125], %broadcast_in_dim3A_5 {strides = array<i32>} : memref<512xf32, #tpu.memory_space<vmem>>, vector<16xf32>,
    %swap3A_127 = arith.constant 320 : index
    %swap3A_128 = tpu.vector_load %arg9[%swap3A_127] {strides = array<i32>} : memref<512xf32, #tpu.memory_space<vmem>>, vector<16xf32>,
    tpu.vector_store %arg9[%swap3A_127], %broadcast_in_dim3A_5 {strides = array<i32>} : memref<512xf32, #tpu.memory_space<vmem>>, vector<16xf32>,
    %swap3A_129 = arith.constant 320 : index
    %swap3A_130 = tpu.vector_load %arg10[%swap3A_129] {strides = array<i32>} : memref<512xf32, #tpu.memory_space<vmem>>, vector<16xf32>,
    tpu.vector_store %arg10[%swap3A_129], %broadcast_in_dim3A_5 {strides = array<i32>} : memref<512xf32, #tpu.memory_space<vmem>>, vector<16xf32>,
    %swap3A_131 = arith.constant 336 : index
    %swap3A_132 = tpu.vector_load %arg8[%swap3A_131] {strides = array<i32>} : memref<512xf32, #tpu.memory_space<vmem>>, vector<16xf32>,
    tpu.vector_store %arg8[%swap3A_131], %broadcast_in_dim3A_5 {strides = array<i32>} : memref<512xf32, #tpu.memory_space<vmem>>, vector<16xf32>,
    %swap3A_133 = arith.constant 336 : index
    %swap3A_134 = tpu.vector_load %arg9[%swap3A_133] {strides = array<i32>} : memref<512xf32, #tpu.memory_space<vmem>>, vector<16xf32>,
    tpu.vector_store %arg9[%swap3A_133], %broadcast_in_dim3A_5 {strides = array<i32>} : memref<512xf32, #tpu.memory_space<vmem>>, vector<16xf32>,
    %swap3A_135 = arith.constant 336 : index
    %swap3A_136 = tpu.vector_load %arg10[%swap3A_135] {strides = array<i32>} : memref<512xf32, #tpu.memory_space<vmem>>, vector<16xf32>,
    tpu.vector_store %arg10[%swap3A_135], %broadcast_in_dim3A_5 {strides = array<i32>} : memref<512xf32, #tpu.memory_space<vmem>>, vector<16xf32>,
    %swap3A_137 = arith.constant 352 : index
    %swap3A_138 = tpu.vector_load %arg8[%swap3A_137] {strides = array<i32>} : memref<512xf32, #tpu.memory_space<vmem>>, vector<16xf32>,
    tpu.vector_store %arg8[%swap3A_137], %broadcast_in_dim3A_5 {strides = array<i32>} : memref<512xf32, #tpu.memory_space<vmem>>, vector<16xf32>,
    %swap3A_139 = arith.constant 352 : index
    %swap3A_140 = tpu.vector_load %arg9[%swap3A_139] {strides = array<i32>} : memref<512xf32, #tpu.memory_space<vmem>>, vector<16xf32>,
    tpu.vector_store %arg9[%swap3A_139], %broadcast_in_dim3A_5 {strides = array<i32>} : memref<512xf32, #tpu.memory_space<vmem>>, vector<16xf32>,
    %swap3A_141 = arith.constant 352 : index
    %swap3A_142 = tpu.vector_load %arg10[%swap3A_141] {strides = array<i32>} : memref<512xf32, #tpu.memory_space<vmem>>, vector<16xf32>,
    tpu.vector_store %arg10[%swap3A_141], %broadcast_in_dim3A_5 {strides = array<i32>} : memref<512xf32, #tpu.memory_space<vmem>>, vector<16xf32>,
    %swap3A_143 = arith.constant 368 : index
    %swap3A_144 = tpu.vector_load %arg8[%swap3A_143] {strides = array<i32>} : memref<512xf32, #tpu.memory_space<vmem>>, vector<16xf32>,
    tpu.vector_store %arg8[%swap3A_143], %broadcast_in_dim3A_5 {strides = array<i32>} : memref<512xf32, #tpu.memory_space<vmem>>, vector<16xf32>,
    %swap3A_145 = arith.constant 368 : index
    %swap3A_146 = tpu.vector_load %arg9[%swap3A_145] {strides = array<i32>} : memref<512xf32, #tpu.memory_space<vmem>>, vector<16xf32>,
    tpu.vector_store %arg9[%swap3A_145], %broadcast_in_dim3A_5 {strides = array<i32>} : memref<512xf32, #tpu.memory_space<vmem>>, vector<16xf32>,
    %swap3A_147 = arith.constant 368 : index
    %swap3A_148 = tpu.vector_load %arg10[%swap3A_147] {strides = array<i32>} : memref<512xf32, #tpu.memory_space<vmem>>, vector<16xf32>,
    tpu.vector_store %arg10[%swap3A_147], %broadcast_in_dim3A_5 {strides = array<i32>} : memref<512xf32, #tpu.memory_space<vmem>>, vector<16xf32>,
    %swap3A_149 = arith.constant 384 : index
    %swap3A_150 = tpu.vector_load %arg8[%swap3A_149] {strides = array<i32>} : memref<512xf32, #tpu.memory_space<vmem>>, vector<16xf32>,
    tpu.vector_store %arg8[%swap3A_149], %broadcast_in_dim3A_5 {strides = array<i32>} : memref<512xf32, #tpu.memory_space<vmem>>, vector<16xf32>,
    %swap3A_151 = arith.constant 384 : index
    %swap3A_152 = tpu.vector_load %arg9[%swap3A_151] {strides = array<i32>} : memref<512xf32, #tpu.memory_space<vmem>>, vector<16xf32>,
    tpu.vector_store %arg9[%swap3A_151], %broadcast_in_dim3A_5 {strides = array<i32>} : memref<512xf32, #tpu.memory_space<vmem>>, vector<16xf32>,
    %swap3A_153 = arith.constant 384 : index
    %swap3A_154 = tpu.vector_load %arg10[%swap3A_153] {strides = array<i32>} : memref<512xf32, #tpu.memory_space<vmem>>, vector<16xf32>,
    tpu.vector_store %arg10[%swap3A_153], %broadcast_in_dim3A_5 {strides = array<i32>} : memref<512xf32, #tpu.memory_space<vmem>>, vector<16xf32>,
    %swap3A_155 = arith.constant 400 : index
    %swap3A_156 = tpu.vector_load %arg8[%swap3A_155] {strides = array<i32>} : memref<512xf32, #tpu.memory_space<vmem>>, vector<16xf32>,
    tpu.vector_store %arg8[%swap3A_155], %broadcast_in_dim3A_5 {strides = array<i32>} : memref<512xf32, #tpu.memory_space<vmem>>, vector<16xf32>,
    %swap3A_157 = arith.constant 400 : index
    %swap3A_158 = tpu.vector_load %arg9[%swap3A_157] {strides = array<i32>} : memref<512xf32, #tpu.memory_space<vmem>>, vector<16xf32>,
    tpu.vector_store %arg9[%swap3A_157], %broadcast_in_dim3A_5 {strides = array<i32>} : memref<512xf32, #tpu.memory_space<vmem>>, vector<16xf32>,
    %swap3A_159 = arith.constant 400 : index
    %swap3A_160 = tpu.vector_load %arg10[%swap3A_159] {strides = array<i32>} : memref<512xf32, #tpu.memory_space<vmem>>, vector<16xf32>,
    tpu.vector_store %arg10[%swap3A_159], %broadcast_in_dim3A_5 {strides = array<i32>} : memref<512xf32, #tpu.memory_space<vmem>>, vector<16xf32>,
    %swap3A_161 = arith.constant 416 : index
    %swap3A_162 = tpu.vector_load %arg8[%swap3A_161] {strides = array<i32>} : memref<512xf32, #tpu.memory_space<vmem>>, vector<16xf32>,
    tpu.vector_store %arg8[%swap3A_161], %broadcast_in_dim3A_5 {strides = array<i32>} : memref<512xf32, #tpu.memory_space<vmem>>, vector<16xf32>,
    %swap3A_163 = arith.constant 416 : index
    %swap3A_164 = tpu.vector_load %arg9[%swap3A_163] {strides = array<i32>} : memref<512xf32, #tpu.memory_space<vmem>>, vector<16xf32>,
    tpu.vector_store %arg9[%swap3A_163], %broadcast_in_dim3A_5 {strides = array<i32>} : memref<512xf32, #tpu.memory_space<vmem>>, vector<16xf32>,
    %swap3A_165 = arith.constant 416 : index
    %swap3A_166 = tpu.vector_load %arg10[%swap3A_165] {strides = array<i32>} : memref<512xf32, #tpu.memory_space<vmem>>, vector<16xf32>,
    tpu.vector_store %arg10[%swap3A_165], %broadcast_in_dim3A_5 {strides = array<i32>} : memref<512xf32, #tpu.memory_space<vmem>>, vector<16xf32>,
    %swap3A_167 = arith.constant 432 : index
    %swap3A_168 = tpu.vector_load %arg8[%swap3A_167] {strides = array<i32>} : memref<512xf32, #tpu.memory_space<vmem>>, vector<16xf32>,
    tpu.vector_store %arg8[%swap3A_167], %broadcast_in_dim3A_5 {strides = array<i32>} : memref<512xf32, #tpu.memory_space<vmem>>, vector<16xf32>,
    %swap3A_169 = arith.constant 432 : index
    %swap3A_170 = tpu.vector_load %arg9[%swap3A_169] {strides = array<i32>} : memref<512xf32, #tpu.memory_space<vmem>>, vector<16xf32>,
    tpu.vector_store %arg9[%swap3A_169], %broadcast_in_dim3A_5 {strides = array<i32>} : memref<512xf32, #tpu.memory_space<vmem>>, vector<16xf32>,
    %swap3A_171 = arith.constant 432 : index
    %swap3A_172 = tpu.vector_load %arg10[%swap3A_171] {strides = array<i32>} : memref<512xf32, #tpu.memory_space<vmem>>, vector<16xf32>,
    tpu.vector_store %arg10[%swap3A_171], %broadcast_in_dim3A_5 {strides = array<i32>} : memref<512xf32, #tpu.memory_space<vmem>>, vector<16xf32>,
    %swap3A_173 = arith.constant 448 : index
    %swap3A_174 = tpu.vector_load %arg8[%swap3A_173] {strides = array<i32>} : memref<512xf32, #tpu.memory_space<vmem>>, vector<16xf32>,
    tpu.vector_store %arg8[%swap3A_173], %broadcast_in_dim3A_5 {strides = array<i32>} : memref<512xf32, #tpu.memory_space<vmem>>, vector<16xf32>,
    %swap3A_175 = arith.constant 448 : index
    %swap3A_176 = tpu.vector_load %arg9[%swap3A_175] {strides = array<i32>} : memref<512xf32, #tpu.memory_space<vmem>>, vector<16xf32>,
    tpu.vector_store %arg9[%swap3A_175], %broadcast_in_dim3A_5 {strides = array<i32>} : memref<512xf32, #tpu.memory_space<vmem>>, vector<16xf32>,
    %swap3A_177 = arith.constant 448 : index
    %swap3A_178 = tpu.vector_load %arg10[%swap3A_177] {strides = array<i32>} : memref<512xf32, #tpu.memory_space<vmem>>, vector<16xf32>,
    tpu.vector_store %arg10[%swap3A_177], %broadcast_in_dim3A_5 {strides = array<i32>} : memref<512xf32, #tpu.memory_space<vmem>>, vector<16xf32>,
    %swap3A_179 = arith.constant 464 : index
    %swap3A_180 = tpu.vector_load %arg8[%swap3A_179] {strides = array<i32>} : memref<512xf32, #tpu.memory_space<vmem>>, vector<16xf32>,
    tpu.vector_store %arg8[%swap3A_179], %broadcast_in_dim3A_5 {strides = array<i32>} : memref<512xf32, #tpu.memory_space<vmem>>, vector<16xf32>,
    %swap3A_181 = arith.constant 464 : index
    %swap3A_182 = tpu.vector_load %arg9[%swap3A_181] {strides = array<i32>} : memref<512xf32, #tpu.memory_space<vmem>>, vector<16xf32>,
    tpu.vector_store %arg9[%swap3A_181], %broadcast_in_dim3A_5 {strides = array<i32>} : memref<512xf32, #tpu.memory_space<vmem>>, vector<16xf32>,
    %swap3A_183 = arith.constant 464 : index
    %swap3A_184 = tpu.vector_load %arg10[%swap3A_183] {strides = array<i32>} : memref<512xf32, #tpu.memory_space<vmem>>, vector<16xf32>,
    tpu.vector_store %arg10[%swap3A_183], %broadcast_in_dim3A_5 {strides = array<i32>} : memref<512xf32, #tpu.memory_space<vmem>>, vector<16xf32>,
    %swap3A_185 = arith.constant 480 : index
    %swap3A_186 = tpu.vector_load %arg8[%swap3A_185] {strides = array<i32>} : memref<512xf32, #tpu.memory_space<vmem>>, vector<16xf32>,
    tpu.vector_store %arg8[%swap3A_185], %broadcast_in_dim3A_5 {strides = array<i32>} : memref<512xf32, #tpu.memory_space<vmem>>, vector<16xf32>,
    %swap3A_187 = arith.constant 480 : index
    %swap3A_188 = tpu.vector_load %arg9[%swap3A_187] {strides = array<i32>} : memref<512xf32, #tpu.memory_space<vmem>>, vector<16xf32>,
    tpu.vector_store %arg9[%swap3A_187], %broadcast_in_dim3A_5 {strides = array<i32>} : memref<512xf32, #tpu.memory_space<vmem>>, vector<16xf32>,
    %swap3A_189 = arith.constant 480 : index
    %swap3A_190 = tpu.vector_load %arg10[%swap3A_189] {strides = array<i32>} : memref<512xf32, #tpu.memory_space<vmem>>, vector<16xf32>,
    tpu.vector_store %arg10[%swap3A_189], %broadcast_in_dim3A_5 {strides = array<i32>} : memref<512xf32, #tpu.memory_space<vmem>>, vector<16xf32>,
    %swap3A_191 = arith.constant 496 : index
    %swap3A_192 = tpu.vector_load %arg8[%swap3A_191] {strides = array<i32>} : memref<512xf32, #tpu.memory_space<vmem>>, vector<16xf32>,
    tpu.vector_store %arg8[%swap3A_191], %broadcast_in_dim3A_5 {strides = array<i32>} : memref<512xf32, #tpu.memory_space<vmem>>, vector<16xf32>,
    %swap3A_193 = arith.constant 496 : index
    %swap3A_194 = tpu.vector_load %arg9[%swap3A_193] {strides = array<i32>} : memref<512xf32, #tpu.memory_space<vmem>>, vector<16xf32>,
    tpu.vector_store %arg9[%swap3A_193], %broadcast_in_dim3A_5 {strides = array<i32>} : memref<512xf32, #tpu.memory_space<vmem>>, vector<16xf32>,
    %swap3A_195 = arith.constant 496 : index
    %swap3A_196 = tpu.vector_load %arg10[%swap3A_195] {strides = array<i32>} : memref<512xf32, #tpu.memory_space<vmem>>, vector<16xf32>,
    tpu.vector_store %arg10[%swap3A_195], %broadcast_in_dim3A_5 {strides = array<i32>} : memref<512xf32, #tpu.memory_space<vmem>>, vector<16xf32>,
    %broadcast_in_dim3A_197 = arith.constant 1.000000e+00 : f32
    %broadcast_in_dim3A_198 = vector.broadcast %broadcast_in_dim3A_197 : f32 to vector<16xf32>
    %eq3A = arith.constant 31 : i32
    %eq3A_199 = arith.cmpi eq, %add3A, %eq3A : i32
    %jit3A = arith.constant 50 : i32
    %jit3A_200 = arith.constant 200 : i32
    %select_n3A = arith.select %eq3A_199, %jit3A, %jit3A_200 : i32
    %mul3A_201 = arith.constant 16 : i32
    %mul3A_202 = arith.muli %select_n3A, %mul3A_201 : i32
    %parallel_loop3A = arith.constant 0 : i32
    %parallel_loop3A_203 = arith.constant 16 : i32
    scf.for %parallel_loop3A_220 = %parallel_loop3A to %mul3A_202 step %parallel_loop3A_203  : i32 {
      %parallel_loop3A_221 = arith.index_cast %parallel_loop3A_220 : i32 to index
      %parallel_loop3A_222 = tpu.vector_load %arg5[%parallel_loop3A_221] {strides = array<i32>} : memref<3200xi32, #tpu.memory_space<vmem>>, vector<16xi32>,
      %parallel_loop3A_223 = arith.index_cast %parallel_loop3A_220 : i32 to index
      %parallel_loop3A_224 = tpu.vector_load %arg6[%parallel_loop3A_223] {strides = array<i32>} : memref<3200xf32, #tpu.memory_space<vmem>>, vector<16xf32>,
      tpu.vector_store_idx %arg8[%parallel_loop3A_222], %parallel_loop3A_224 {add = true} : memref<512xf32, #tpu.memory_space<vmem>>[vector<16xi32>], vector<16xf32>,
      %parallel_loop3A_225 = arith.index_cast %parallel_loop3A_220 : i32 to index
      %parallel_loop3A_226 = tpu.vector_load %arg7[%parallel_loop3A_225] {strides = array<i32>} : memref<3200xf32, #tpu.memory_space<vmem>>, vector<16xf32>,
      tpu.vector_store_idx %arg9[%parallel_loop3A_222], %parallel_loop3A_226 {add = true} : memref<512xf32, #tpu.memory_space<vmem>>[vector<16xi32>], vector<16xf32>,
      tpu.vector_store_idx %arg10[%parallel_loop3A_222], %broadcast_in_dim3A_198 {add = true} : memref<512xf32, #tpu.memory_space<vmem>>[vector<16xi32>], vector<16xf32>,
    } {sc.loop_unroll_factor = 4 : i64, sc.parallel_access}
    %mul3A_204 = arith.constant 3 : i32
    %mul3A_205 = arith.muli %add3A, %mul3A_204 : i32
    %mul3A_206 = arith.constant 512 : i32
    %mul3A_207 = arith.muli %mul3A_205, %mul3A_206 : i32
    "tpu.region"() ({
      %run_scoped3A = tpu.sem_alloc : memref<!tpu.dma_semaphore, #tpu.memory_space<semaphore_mem>>
      %dma_start3A = tpu.memref_slice %arg4[%mul3A_207] : memref<49152xf32, #tpu.memory_space<hbm>> -> memref<512xf32, #tpu.memory_space<hbm>>
      %dma_start3A_220 = tpu.memref_slice %arg4[%mul3A_207] : memref<49152xf32, #tpu.memory_space<hbm>> -> memref<512xf32, #tpu.memory_space<hbm>>
      tpu.enqueue_dma source(%arg8 : memref<512xf32, #tpu.memory_space<vmem>>) target(%dma_start3A_220 : memref<512xf32, #tpu.memory_space<hbm>>) target_semaphore(%run_scoped3A : memref<!tpu.dma_semaphore, #tpu.memory_space<semaphore_mem>>)
      %dma_wait3A = tpu.memref_slice %arg4[%mul3A_207] : memref<49152xf32, #tpu.memory_space<hbm>> -> memref<512xf32, #tpu.memory_space<hbm>>
      %dma_wait3A_221 = tpu.memref_slice %arg4[%mul3A_207] : memref<49152xf32, #tpu.memory_space<hbm>> -> memref<512xf32, #tpu.memory_space<hbm>>
      tpu.wait_dma2 semaphore(%run_scoped3A : memref<!tpu.dma_semaphore, #tpu.memory_space<semaphore_mem>>) src(%arg8 : memref<512xf32, #tpu.memory_space<vmem>>) dst(%dma_wait3A_221 : memref<512xf32, #tpu.memory_space<hbm>>)
      tpu.yield
    }) : () -> ()
    %mul3A_208 = arith.constant 3 : i32
    %mul3A_209 = arith.muli %add3A, %mul3A_208 : i32
    %mul3A_210 = arith.constant 512 : i32
    %mul3A_211 = arith.muli %mul3A_209, %mul3A_210 : i32
    %add3A_212 = arith.constant 512 : i32
    %add3A_213 = arith.addi %mul3A_211, %add3A_212 : i32
    "tpu.region"() ({
      %run_scoped3A = tpu.sem_alloc : memref<!tpu.dma_semaphore, #tpu.memory_space<semaphore_mem>>
      %dma_start3A = tpu.memref_slice %arg4[%add3A_213] : memref<49152xf32, #tpu.memory_space<hbm>> -> memref<512xf32, #tpu.memory_space<hbm>>
      %dma_start3A_220 = tpu.memref_slice %arg4[%add3A_213] : memref<49152xf32, #tpu.memory_space<hbm>> -> memref<512xf32, #tpu.memory_space<hbm>>
      tpu.enqueue_dma source(%arg9 : memref<512xf32, #tpu.memory_space<vmem>>) target(%dma_start3A_220 : memref<512xf32, #tpu.memory_space<hbm>>) target_semaphore(%run_scoped3A : memref<!tpu.dma_semaphore, #tpu.memory_space<semaphore_mem>>)
      %dma_wait3A = tpu.memref_slice %arg4[%add3A_213] : memref<49152xf32, #tpu.memory_space<hbm>> -> memref<512xf32, #tpu.memory_space<hbm>>
      %dma_wait3A_221 = tpu.memref_slice %arg4[%add3A_213] : memref<49152xf32, #tpu.memory_space<hbm>> -> memref<512xf32, #tpu.memory_space<hbm>>
      tpu.wait_dma2 semaphore(%run_scoped3A : memref<!tpu.dma_semaphore, #tpu.memory_space<semaphore_mem>>) src(%arg9 : memref<512xf32, #tpu.memory_space<vmem>>) dst(%dma_wait3A_221 : memref<512xf32, #tpu.memory_space<hbm>>)
      tpu.yield
    }) : () -> ()
    %mul3A_214 = arith.constant 3 : i32
    %mul3A_215 = arith.muli %add3A, %mul3A_214 : i32
    %mul3A_216 = arith.constant 512 : i32
    %mul3A_217 = arith.muli %mul3A_215, %mul3A_216 : i32
    %add3A_218 = arith.constant 1024 : i32
    %add3A_219 = arith.addi %mul3A_217, %add3A_218 : i32
    "tpu.region"() ({
      %run_scoped3A = tpu.sem_alloc : memref<!tpu.dma_semaphore, #tpu.memory_space<semaphore_mem>>
      %dma_start3A = tpu.memref_slice %arg4[%add3A_219] : memref<49152xf32, #tpu.memory_space<hbm>> -> memref<512xf32, #tpu.memory_space<hbm>>
      %dma_start3A_220 = tpu.memref_slice %arg4[%add3A_219] : memref<49152xf32, #tpu.memory_space<hbm>> -> memref<512xf32, #tpu.memory_space<hbm>>
      tpu.enqueue_dma source(%arg10 : memref<512xf32, #tpu.memory_space<vmem>>) target(%dma_start3A_220 : memref<512xf32, #tpu.memory_space<hbm>>) target_semaphore(%run_scoped3A : memref<!tpu.dma_semaphore, #tpu.memory_space<semaphore_mem>>)
      %dma_wait3A = tpu.memref_slice %arg4[%add3A_219] : memref<49152xf32, #tpu.memory_space<hbm>> -> memref<512xf32, #tpu.memory_space<hbm>>
      %dma_wait3A_221 = tpu.memref_slice %arg4[%add3A_219] : memref<49152xf32, #tpu.memory_space<hbm>> -> memref<512xf32, #tpu.memory_space<hbm>>
      tpu.wait_dma2 semaphore(%run_scoped3A : memref<!tpu.dma_semaphore, #tpu.memory_space<semaphore_mem>>) src(%arg10 : memref<512xf32, #tpu.memory_space<vmem>>) dst(%dma_wait3A_221 : memref<512xf32, #tpu.memory_space<hbm>>)
      tpu.yield
    }) : () -> ()
    return
  }
}

module attributes {stable_mosaic.version = 14 : i64} {
  func.func @_tc1_body(%arg0: i32, %arg1: memref<25600x128xf32, #tpu.memory_space<vmem>>, %arg2: memref<128x64xbf16, #tpu.memory_space<vmem>>, %arg3: memref<1x64xbf16, #tpu.memory_space<vmem>>, %arg4: memref<64x2xbf16, #tpu.memory_space<vmem>>, %arg5: memref<2x25600xf32, #tpu.memory_space<vmem>>) attributes {dimension_semantics = [#tpu.dimension_semantics<arbitrary>], iteration_bounds = array<i64: 4>, scalar_prefetch = 0 : i64, scratch_operands = 0 : i64, tpu.core_type = #tpu.core_type<tc>, window_params = [{transform_indices = @transform_0, window_bounds = array<i64: 25600, 128>}, {pipeline_mode = #tpu.pipeline_mode<synchronous>, transform_indices = @transform_1, window_bounds = array<i64: 128, 64>}, {pipeline_mode = #tpu.pipeline_mode<synchronous>, transform_indices = @transform_2, window_bounds = array<i64: 1, 64>}, {pipeline_mode = #tpu.pipeline_mode<synchronous>, transform_indices = @transform_3, window_bounds = array<i64: 64, 2>}, {transform_indices = @transform_4, window_bounds = array<i64: 2, 25600>}]} {
    %get3A = arith.constant 0 : index
    %get3A_0 = arith.constant 0 : index
    %get3A_1 = vector.load %arg1[%get3A, %get3A_0] : memref<25600x128xf32, #tpu.memory_space<vmem>>, vector<25600x128xf32>
    %convert_element_type3A = arith.truncf %get3A_1 : vector<25600x128xf32> to vector<25600x128xbf16>
    %get3A_2 = arith.constant 0 : index
    %get3A_3 = arith.constant 0 : index
    %get3A_4 = vector.load %arg2[%get3A_2, %get3A_3] : memref<128x64xbf16, #tpu.memory_space<vmem>>, vector<128x64xbf16>
    %dot_general3A = arith.constant dense<0.000000e+00> : vector<25600x64xf32>
    %dot_general3A_5 = tpu.matmul %convert_element_type3A, %get3A_4, %dot_general3A {dimension_numbers = #tpu.dot_dimension_numbers<[1], [0], [0], [1], [0, 0, 1, 1], [], []>, transpose_lhs_hint = false} : vector<25600x128xbf16>, vector<128x64xbf16>, vector<25600x64xf32> -> vector<25600x64xf32>
    %convert_element_type3A_6 = arith.truncf %dot_general3A_5 : vector<25600x64xf32> to vector<25600x64xbf16>
    %get3A_7 = arith.constant 0 : index
    %get3A_8 = arith.constant 0 : index
    %get3A_9 = vector.load %arg3[%get3A_7, %get3A_8] : memref<1x64xbf16, #tpu.memory_space<vmem>>, vector<1x64xbf16>
    %add3A = vector.broadcast %get3A_9 : vector<1x64xbf16> to vector<25600x64xbf16>
    %add3A_10 = arith.addf %convert_element_type3A_6, %add3A : vector<25600x64xbf16>
    %max3A = arith.constant 0.000000e+00 : bf16
    %max3A_11 = vector.broadcast %max3A : bf16 to vector<25600x64xbf16>
    %max3A_12 = arith.maximumf %add3A_10, %max3A_11 : vector<25600x64xbf16>
    %get3A_13 = arith.constant 0 : index
    %get3A_14 = arith.constant 0 : index
    %get3A_15 = vector.load %arg4[%get3A_13, %get3A_14] : memref<64x2xbf16, #tpu.memory_space<vmem>>, vector<64x2xbf16>
    %dot_general3A_16 = arith.constant dense<0.000000e+00> : vector<2x25600xf32>
    %dot_general3A_17 = tpu.matmul %get3A_15, %max3A_12, %dot_general3A_16 {dimension_numbers = #tpu.dot_dimension_numbers<[0], [1], [1], [0], [0, 1, 1, 0], [], []>, transpose_lhs_hint = false} : vector<64x2xbf16>, vector<25600x64xbf16>, vector<2x25600xf32> -> vector<2x25600xf32>
    %swap3A = arith.constant 0 : index
    %swap3A_18 = arith.constant 0 : index
    %swap3A_19 = vector.load %arg5[%swap3A, %swap3A_18] : memref<2x25600xf32, #tpu.memory_space<vmem>>, vector<2x25600xf32>
    tpu.vector_store %arg5[%swap3A, %swap3A_18], %dot_general3A_17 {strides = array<i32>} : memref<2x25600xf32, #tpu.memory_space<vmem>>, vector<2x25600xf32>,
    return
  }
  func.func @transform_0(%arg0: i32) -> (i32, i32) {
    %c0_i32 = arith.constant 0 : i32
    %c0_i32_0 = arith.constant 0 : i32
    return %arg0, %c0_i32 : i32, i32
  }
  func.func @transform_1(%arg0: i32) -> (i32, i32) {
    %c0_i32 = arith.constant 0 : i32
    %c0_i32_0 = arith.constant 0 : i32
    %c0_i32_1 = arith.constant 0 : i32
    return %c0_i32, %c0_i32_0 : i32, i32
  }
  func.func @transform_2(%arg0: i32) -> (i32, i32) {
    %c0_i32 = arith.constant 0 : i32
    %c0_i32_0 = arith.constant 0 : i32
    %c0_i32_1 = arith.constant 0 : i32
    return %c0_i32, %c0_i32_0 : i32, i32
  }
  func.func @transform_3(%arg0: i32) -> (i32, i32) {
    %c0_i32 = arith.constant 0 : i32
    %c0_i32_0 = arith.constant 0 : i32
    %c0_i32_1 = arith.constant 0 : i32
    return %c0_i32, %c0_i32_0 : i32, i32
  }
  func.func @transform_4(%arg0: i32) -> (i32, i32) {
    %c0_i32 = arith.constant 0 : i32
    %c0_i32_0 = arith.constant 0 : i32
    return %c0_i32, %arg0 : i32, i32
  }
}

module attributes {stable_mosaic.version = 14 : i64} {
  func.func @_tc2_body(%arg0: memref<32x3x512xf32, #tpu.memory_space<vmem>>, %arg1: memref<2x1xf32, #tpu.memory_space<vmem>>, %arg2: memref<2x1xf32, #tpu.memory_space<vmem>>, %arg3: memref<2x512xf32, #tpu.memory_space<vmem>>) attributes {dimension_semantics = [], scalar_prefetch = 0 : i64, scratch_operands = 0 : i64, tpu.core_type = #tpu.core_type<tc>} {
    %get3A = arith.constant 0 : index
    %get3A_0 = arith.constant 0 : index
    %get3A_1 = arith.constant 0 : index
    %get3A_2 = vector.load %arg0[%get3A, %get3A_0, %get3A_1] : memref<32x3x512xf32, #tpu.memory_space<vmem>>, vector<32x3x512xf32>
    %reduce_sum3A = arith.constant dense<0.000000e+00> : vector<3x512xf32>
    %reduce_sum3A_3 = vector.multi_reduction <add>, %get3A_2, %reduce_sum3A [0] : vector<32x3x512xf32> to vector<3x512xf32>
    %slice3A = vector.extract_strided_slice %reduce_sum3A_3 {offsets = [2, 0], sizes = [1, 512], strides = [1, 1]} : vector<3x512xf32> to vector<1x512xf32>
    %slice3A_4 = vector.extract_strided_slice %reduce_sum3A_3 {offsets = [0, 0], sizes = [2, 512], strides = [1, 1]} : vector<3x512xf32> to vector<2x512xf32>
    %max3A = arith.constant 1.000000e+00 : f32
    %max3A_5 = vector.broadcast %max3A : f32 to vector<1x512xf32>
    %max3A_6 = arith.maximumf %slice3A, %max3A_5 : vector<1x512xf32>
    %div3A = vector.broadcast %max3A_6 : vector<1x512xf32> to vector<2x512xf32>
    %div3A_7 = arith.divf %slice3A_4, %div3A : vector<2x512xf32>
    %get3A_8 = arith.constant 0 : index
    %get3A_9 = arith.constant 0 : index
    %get3A_10 = vector.load %arg1[%get3A_8, %get3A_9] : memref<2x1xf32, #tpu.memory_space<vmem>>, vector<2x1xf32>
    %add3A = vector.broadcast %get3A_10 : vector<2x1xf32> to vector<2x512xf32>
    %add3A_11 = arith.addf %div3A_7, %add3A : vector<2x512xf32>
    %gt3A = arith.constant 0.000000e+00 : f32
    %gt3A_12 = vector.broadcast %gt3A : f32 to vector<1x512xf32>
    %gt3A_13 = arith.cmpf ogt, %slice3A, %gt3A_12 : vector<1x512xf32>
    %get3A_14 = arith.constant 0 : index
    %get3A_15 = arith.constant 0 : index
    %get3A_16 = vector.load %arg2[%get3A_14, %get3A_15] : memref<2x1xf32, #tpu.memory_space<vmem>>, vector<2x1xf32>
    %broadcast_in_dim3A = vector.shape_cast %gt3A_13 : vector<1x512xi1> to vector<1x512xi1>
    %broadcast_in_dim3A_17 = vector.broadcast %broadcast_in_dim3A : vector<1x512xi1> to vector<2x512xi1>
    %broadcast_in_dim3A_18 = vector.shape_cast %get3A_16 : vector<2x1xf32> to vector<2x1xf32>
    %broadcast_in_dim3A_19 = vector.broadcast %broadcast_in_dim3A_18 : vector<2x1xf32> to vector<2x512xf32>
    %select_n3A = arith.select %broadcast_in_dim3A_17, %add3A_11, %broadcast_in_dim3A_19 : vector<2x512xi1>, vector<2x512xf32>
    %reduce_max3A = arith.constant dense<0xFF800000> : vector<2xf32>
    %reduce_max3A_20 = vector.multi_reduction <maximumf>, %select_n3A, %reduce_max3A [1] : vector<2x512xf32> to vector<2xf32>
    %broadcast_in_dim3A_21 = vector.shape_cast %reduce_max3A_20 : vector<2xf32> to vector<2x1xf32>
    %sub3A = vector.broadcast %broadcast_in_dim3A_21 : vector<2x1xf32> to vector<2x512xf32>
    %sub3A_22 = arith.subf %select_n3A, %sub3A : vector<2x512xf32>
    %exp3A = math.exp %sub3A_22 : vector<2x512xf32>
    %reduce_sum3A_23 = arith.constant dense<0.000000e+00> : vector<2xf32>
    %reduce_sum3A_24 = vector.multi_reduction <add>, %exp3A, %reduce_sum3A_23 [1] : vector<2x512xf32> to vector<2xf32>
    %broadcast_in_dim3A_25 = vector.shape_cast %reduce_sum3A_24 : vector<2xf32> to vector<2x1xf32>
    %div3A_26 = vector.broadcast %broadcast_in_dim3A_25 : vector<2x1xf32> to vector<2x512xf32>
    %div3A_27 = arith.divf %exp3A, %div3A_26 : vector<2x512xf32>
    %swap3A = arith.constant 0 : index
    %swap3A_28 = arith.constant 0 : index
    %swap3A_29 = vector.load %arg3[%swap3A, %swap3A_28] : memref<2x512xf32, #tpu.memory_space<vmem>>, vector<2x512xf32>
    tpu.vector_store %arg3[%swap3A, %swap3A_28], %div3A_27 {strides = array<i32>} : memref<2x512xf32, #tpu.memory_space<vmem>>, vector<2x512xf32>,
    return
  }
}

</mosaic_0001>

<sc_bundles>
// kernel: kernel.5.cloned.1.call-start
scs
__scs_entry_jumppad:
0x0: {  	(pc) =	sbr.rel $0x88, $3  }
0x1: {  	(tag) =	ssettag $0x0;
	lr =	simm.s32 $0x1  }
0x2: {  	[smem:$0x3F97] =	sst lr;
	_ =	strace $0xD0000000  }
0x3: {  	_ = 	snop  }
0x4: {  	_ = 	snop  }
0x5: {  	_ = 	snop  }
0x6: {  	_ = 	snop  }
0x7: {  	_ = 	snop  }
__scs_overlays_trampoline_lowered:
0x8: {  	[smem:$0x3FA6] =	sst s0  }
0x9: {  	[smem:$0x3FA7] =	sst s1  }
0xa: {  	[smem:$0x3FA8] =	sst s2  }
0xb: {  	[smem:$0x3FA9] =	sst s3  }
0xc: {  	[smem:$0x3FAA] =	sst s4  }
0xd: {  	[smem:$0x3FAB] =	sst s5  }
0xe: {  	[smem:$0x3FAC] =	sst s6  }
0xf: {  	[smem:$0x3FAD] =	sst s7  }
0x10: {  	[smem:$0x3FAE] =	sst s8  }
0x11: {  	[smem:$0x3FAF] =	sst s9;
	s0 =	simm.s32 @!p0 $0x0  }
0x12: {  	s1 =	sld [smem:$0x3F95];
	s0 =	simm.s32 @p0 $0x1  }
0x13: {  	[smem:$0x3FB0] =	sst s0;
	s0 =	simm.s32 @!p1 $0x0  }
0x14: {  	s2 =	sld [smem:$0x3F94];
	s0 =	simm.s32 @p1 $0x1  }
0x15: {  	[smem:$0x3FB1] =	sst s0;
	s0 =	simm.s32 @!p2 $0x0  }
0x16: {  	s3 =	sld [smem:$0x3FDB];
	s0 =	simm.s32 @p2 $0x1  }
0x17: {  	s4 =	simm.s32 $0x1BF5;
	[smem:$0x3FB3] =	sst s0  }
0x18: {  	s0 =	sld [smem:$0x3F96];
	_ =	swait.ge [sflag:s4], $0x0  }
0x19: {  	s7 =	sld [smem:$0x3F97]  }
0x1a: {  	s8 =	sadd.s32 $0xFFFFE003, lr  }
0x1b: {  	s9 =	sadd.s32 $0xFFFFFEF7, lr;
	s5 =	simm.s32 $0xFFFFFFFF;
	p2 =	slt.u32 s8, $0xFFFFF086  }
0x1c: {  	p1 =	slt.u32 s9, $0xF7A;
	s5 =	simm.s32 @!p2 $0x0  }
0x1d: {  	s5 =	simm.s32 @p1 $0x1;
	p0 =	seq.s32 s7, s2  }
0x1e: {  	s7 =	smul.u32 @!p0 $0xF7A, s2;
	p2 =	seq.s32 @!p0 s5, $0x0  }
0x1f: {  	s9 =	smul.u32 $0xF7A, s1;
	s8 =	simm.s32 @!p0 $0x1BF5;
	p2 =	por !p2, p0  }
0x20: {  	[sflag:s8] =	ssyncset.s32 @!p0 $0xFFFFF086;
	s6 =	sadd.s32 @!p0 s3, s7;
	s7 =	simm.s32 @!p0 $0x108  }
0x21: {  	s3 =	sadd.s32 s3, s9;
	s6 =	sadd.s32 @!p0 $0x88, s6;
	s7 =	simm.s32 @p2 $0x1082  }
0x22: {  	[simem:s7], [sflag:s8] =	dma.local @!p0 [hbm:s6], $0xF7A  }
0x23: {  	s9 =	sor.u32 $0xD0000000, s2;
	s6 =	simm.s32 $0x108;
	_ =	swait.ge @!p0 [sflag:s8], $0x0  }
0x24: {  	s3 =	sadd.s32 $0x88, s3;
	s6 =	simm.s32 @!p1 $0x1082;
	[sflag:s4] =	ssyncset.s32 $0xFFFFF086  }
0x25: {  	[simem:s6], [sflag:s4] =	dma.local [hbm:s3], $0xF7A  }
0x26: {  	[smem:$0x3F97] =	sst s1;
	(tag) =	ssettag s2;
	_ =	strace s9  }
0x27: {  	s1 =	sld [smem:$0x3FA7]  }
0x28: {  	s2 =	sld [smem:$0x3FA8]  }
0x29: {  	s4 =	sld [smem:$0x3FAA]  }
0x2a: {  	p0 =	seq.s32 s5, $0x0;
	s5 =	sld [smem:$0x3FAB]  }
0x2b: {  	s6 =	sld [smem:$0x3FAC]  }
0x2c: {  	s7 =	sld [smem:$0x3FAD]  }
0x2d: {  	s3 =	simm.s32 $0x108;
	s8 =	sld [smem:$0x3FAE]  }
0x2e: {  	s3 =	simm.s32 @!p0 $0x1082;
	s9 =	sld [smem:$0x3FAF]  }
0x2f: {  	lr =	sadd.s32 s0, s3;
	s0 =	sld [smem:$0x3FA6]  }
0x30: {  	s3 =	sld [smem:$0x3FA9]  }
0x31: {  	[smem:$0x3FB2] =	sst s10  }
0x32: {  	s10 =	sld [smem:$0x3FB0];
	_ =	sdelay $0x3  }
0x33: {  	p0 =	seq.s32 s10, $0x1;
	s10 =	sld [smem:$0x3FB2];
	_ =	sdelay $0x3  }
0x34: {  	[smem:$0x3FB2] =	sst s10  }
0x35: {  	s10 =	sld [smem:$0x3FB1];
	_ =	sdelay $0x3  }
0x36: {  	p1 =	seq.s32 s10, $0x1;
	s10 =	sld [smem:$0x3FB2];
	_ =	sdelay $0x3  }
0x37: {  	[smem:$0x3FB2] =	sst s10  }
0x38: {  	s10 =	sld [smem:$0x3FB3]  }
0x39: {  	_ = 	snop;
	(pc) =	sbr.ind lr, $3  }
0x3a: {  	_ = 	snop  }
0x3b: {  	_ = 	snop  }
0x3c: {  	p2 =	seq.s32 s10, $0x1;
	s10 =	sld [smem:$0x3FB2]  }
0x3d: {  	_ =	shalt  }
0x3e: {  	_ =	shalt  }
0x3f: {  	_ =	shalt  }
0x40: {  	_ =	shalt  }
0x41: {  	_ =	shalt  }
0x42: {  	_ =	shalt  }
0x43: {  	_ =	shalt  }
0x44: {  	_ =	shalt  }
0x45: {  	_ =	shalt  }
0x46: {  	_ =	shalt  }
0x47: {  	_ =	shalt  }
0x48: {  	_ =	shalt  }
0x49: {  	_ =	shalt  }
0x4a: {  	_ =	shalt  }
0x4b: {  	_ =	shalt  }
0x4c: {  	_ =	shalt  }
0x4d: {  	_ =	shalt  }
0x4e: {  	_ =	shalt  }
0x4f: {  	_ =	shalt  }
0x50: {  	_ =	shalt  }
0x51: {  	_ =	shalt  }
0x52: {  	_ =	shalt  }
0x53: {  	_ =	shalt  }
0x54: {  	_ =	shalt  }
0x55: {  	_ =	shalt  }
0x56: {  	_ =	shalt  }
0x57: {  	_ =	shalt  }
0x58: {  	_ =	shalt  }
0x59: {  	_ =	shalt  }
0x5a: {  	_ =	shalt  }
0x5b: {  	_ =	shalt  }
0x5c: {  	_ =	shalt  }
0x5d: {  	_ =	shalt  }
0x5e: {  	_ =	shalt  }
0x5f: {  	_ =	shalt  }
0x60: {  	_ =	shalt  }
0x61: {  	_ =	shalt  }
0x62: {  	_ =	shalt  }
0x63: {  	_ =	shalt  }
0x64: {  	_ =	shalt  }
0x65: {  	_ =	shalt  }
0x66: {  	_ =	shalt  }
0x67: {  	_ =	shalt  }
0x68: {  	_ =	shalt  }
0x69: {  	_ =	shalt  }
0x6a: {  	_ =	shalt  }
0x6b: {  	_ =	shalt  }
0x6c: {  	_ =	shalt  }
0x6d: {  	_ =	shalt  }
0x6e: {  	_ =	shalt  }
0x6f: {  	_ =	shalt  }
0x70: {  	_ =	shalt  }
0x71: {  	_ =	shalt  }
0x72: {  	_ =	shalt  }
0x73: {  	_ =	shalt  }
0x74: {  	_ =	shalt  }
0x75: {  	_ =	shalt  }
0x76: {  	_ =	shalt  }
0x77: {  	_ =	shalt  }
0x78: {  	_ =	shalt  }
0x79: {  	_ =	shalt  }
0x7a: {  	_ =	shalt  }
0x7b: {  	_ =	shalt  }
0x7c: {  	_ =	shalt  }
0x7d: {  	_ =	shalt  }
0x7e: {  	_ =	shalt  }
0x7f: {  	_ =	shalt  }
0x80: {  	_ =	shalt  }
0x81: {  	_ =	shalt  }
0x82: {  	_ =	shalt  }
0x83: {  	_ =	shalt  }
0x84: {  	_ =	shalt  }
0x85: {  	_ =	shalt  }
0x86: {  	_ =	shalt  }
0x87: {  	_ =	shalt  }
.Lfunc_end0:
.L_simem_size_0:
called_computation_lowered:
.L_overlay_start_0:
0x88: {  	s2 =	sld [smem:$0x3FD9]  }
0x89: {  	s3 =	sld [smem:$0x3FFE];
	_ =	sdelay $0x1  }
0x8a: {  	s1 =	srdreg.scid  }
0x8b: {  	s0 =	sand.u32 $0x1, s1  }
0x8c: {  	s16 =	sshll.u32 s0, $0xA;
	s2 =	sadd.s32 s3, s2  }
0x8d: {  	s2 =	sadd.s32 s2, s16  }
0x8e: {  	[smem:$0x3FBE] =	sst s2  }
0x8f: {  	_ = 	snop  }
0x90: {  	(tm) =	ssettm $0x1  }
0x91: {  	s17 =	sld [smem:$0x3FFB];
	_ =	sdelay $0x3  }
0x92: {  	_ =	strace s17  }
0x93: {  	s2 =	sld [smem:$0x3FFC];
	_ =	sdelay $0x3  }
0x94: {  	_ =	strace s2  }
0x95: {  	s2 =	sld [smem:$0x3FFD];
	_ =	sdelay $0x3  }
0x96: {  	_ =	strace s2  }
0x97: {  	_ =	strace $0x8FFFFFFF  }
0x98: {  	s18 =	sld [smem:$0x3FDB];
	_ =	sdelay $0x1  }
0x99: {  	s19 =	simm.s32 $_scs_section_size  }
0x9a: {  	s4 =	simm.s32 $_size__tile_overlayer_lowered;
	s5 =	simm.s32 $_tile_overlayer_lowered  }
0x9b: {  	s22 =	simm.s32 $0x1BFF;
	s21 =	sshll.u32 s5, $0x1;
	s2 =	sadd.s32 s19, s18  }
0x9c: {  	s6 =	simm.s32 $0x0;
	s20 =	sshll.u32 s4, $0x1;
	s4 =	sadd.s32 s21, s2  }
0x9d: {  	[timem:s6], [sflag:s22] =	dma.local [hbm:s4], s20  }
0x9e: {  	_ =	swait.ge [sflag:s22], s20  }
0x9f: {  	s3 =	ssub.s32 $0x0, s20;
	[sflag:s22] =	ssyncset.done $0x0  }
0xa0: {  	[sflag:s22] =	ssyncadd.s32 s3;
	_ =	sdelay $0x1  }
0xa1: {  	s23 =	simm.s32 $0x1B8B  }
0xa2: {  	_ =	swait.ge [sflag:s23], $0x1  }
0xa3: {  	[sflag:s23] =	ssyncset.done $0x0  }
0xa4: {  	s25 =	simm.s32 $0x1B8E;
	s24 =	sld [smem:$0x3FFE];
	[sflag:s23] =	ssyncadd.s32 $0xFFFFFFFF  }
0xa5: {  	s26 =	simm.s32 $execute0_lowered;
	[smem:$0x3FD2] =	sst s25  }
0xa6: {  	s4 =	sshll.u32 s26, $0x1;
	_ =	strace $0x80000046;
	[dreg:$0x1] =	wrdreg $0xFFFFFFFF  }
0xa7: {  	s28 =	simm.s32 $_size_execute0_lowered;
	s2 =	sadd.s32 s2, s4;
	[dreg:$0x0] =	wrdreg $0x0  }
0xa8: {  	s4 =	sshll.u32 s28, $0x1;
	[dreg:$0x2] =	wrdreg s2  }
0xa9: {  	[dreg:$0x3] =	wrdreg s4  }
0xaa: {  	[dreg:$0x4] =	wrdreg $0xC0  }
0xab: {  	_ =	task [dreg:s6], $0x5FFFF  }
0xac: {  	[dreg:$0x1] =	wrdreg $0xFFFFFFFF  }
0xad: {  	[dreg:$0x0] =	wrdreg $0x60  }
0xae: {  	[dreg:$0x2] =	wrdreg s24  }
0xaf: {  	[dreg:$0x3] =	wrdreg $0x9  }
0xb0: {  	_ =	task.clear_ibuf [dreg:s6], $0x4FFFF;
	_ =	strace $0x90000046  }
0xb1: {  	s29 =	simm.s32 $0x9;
	_ =	strace $0x80000048  }
0xb2: {  	_ =	swait.ge [sflag:s29], $0x1  }
0xb3: {  	[sflag:s29] =	ssyncadd.s32 $0xFFFFFFFF  }
0xb4: {  	_ =	strace $0x90000048  }
0xb5: {  	_ =	sfence  }
0xb6: {  	s30 =	sld [smem:$0x0];
	_ =	sdelay $0x2  }
0xb7: {  	s31 =	sshll.u32 s1, $0xD;
	s1 =	sshrl.u32 s1, $0x2  }
0xb8: {  	s3 =	sand.u32 $0x4000, s31;
	s1 =	sadd.s32 s1, s30  }
0xb9: {  	s0 =	sor.u32 s3, s0;
	s1 =	sshll.u32 s1, $0x11  }
0xba: {  	s0 =	sor.u32 s1, s0  }
0xbb: {  	s0 =	sadd.s32 $0x8F2B, s0  }
0xbc: {  	[sflag:s0] =	ssyncadd.remote.s32 $0x1  }
0xbd: {  	_ =	sfence.sel $0xFFFF  }
0xbe: {  	[dreg:$0x0] =	wrdreg $0xFFFFFFFF;
	(pc) =	sbr.abs _section_cstart, $3  }
0xbf: {  	[dreg:$0x1] =	wrdreg $0xFFFFFFFF  }
0xc0: {  	_ =	task.clear_ibuf [dreg:s6], $0x2FFFF;
	_ =	strace $0x9FFFFFFF  }
0xc1: {  	(tm) =	ssettm $0x7FFFFFFF  }
tec
execute0_lowered:
.L_overlay_start_1:
0x0: {  	(tag) =	ssettag $0x1  }
0x1: {  	s1 =	srdreg.scid;
	s0 =	stileid.u32  }
0x2: {  	s4 =	rddreg [dreg:$0x0];
	s2 =	simm.s32 $0x0;
	s14 =	simm.s32 $0x1  }
0x3: {  	s15 =	simm.s32 $0xC80;
	s16 =	simm.s32 $0x1900;
	s17 =	simm.s32 $0x2580  }
0x4: {  	s18 =	simm.s32 $0x2780;
	s3 =	sand.u32 $0x1, s1;
	s31 =	sshll.u32 s0, $0x1  }
0x5: {  	s19 =	simm.s32 $0x2980;
	s20 =	simm.s32 $0x0;
	s5 =	sor.u32 s3, s31  }
0x6: {  	s1 =	rddreg [dreg:$0x1];
	s3 =	ssub.s32 $0x2, s3;
	s6 =	smul.u32 $0xC80, s5  }
0x7: {  	[smem:$0x7FF] =	sst s2;
	s7 =	smul.u32 $0x600, s5;
	s8 =	sshrl.u32 s3, $0x1  }
0x8: {  	_ =	strace $0x80000047;
	p0 =	seq.s32 s5, $0x1F;
	s11 =	ssub.s32 s3, s8  }
0x9: {  	s6 =	sshrl.u32 s6, $0x3;
	s7 =	sshrl.u32 s7, $0x3;
	s11 =	smax.u32 s11, $0x1  }
.Ltmp0:
0xa: {  	s6 =	sadd.s32 s6, s4;
	s10 =	sadd.s32 s7, s4;
	(pc) =	sbr.rel .LBB2_1-.Ltmp0, $4  }
0xb: {  	s4 =	simm.s32 $0x320;
	s3 =	sadd.s32 $0x7400, s6;
	s5 =	sadd.s32 $0x1000, s6  }
0xc: {  	s6 =	sadd.s32 $0x4200, s6;
	s4 =	simm.s32 @!p0 $0xC80;
	s8 =	sadd.s32 $0xA600, s10  }
0xd: {  	s9 =	sadd.s32 $0xA640, s10;
	s10 =	sadd.s32 $0xA680, s10;
	s7 =	sand.u32 $0xF80, s4  }
0xe: {  	v0 =	vimm.f32 $0.0e+00;
	v1 =	vimm.f32 $1.000000000e+00;
	s12 =	sadd.s32 $0x1900, s7;
	s13 =	sadd.s32 $0xC80, s7;
	p0 =	seq.s32 s7, s4  }
.LBB2_5:
0xf: {  	[hbm4b:s8+s2] =	stream.linear.scatter [tilespmem:s17], [sflag:$0x1], $0x200, $0x38;
	[tilespmem:$0x2B80] =	vst v63  }
0x10: {  	_ =	swait.ge [sflag:s14], $0x200  }
0x11: {  	[sflag:s14] =	ssyncset.done $0x0  }
0x12: {  	[sflag:s14] =	ssyncadd.s32 $0xFFFFFE00  }
0x13: {  	[hbm4b:s9+s2] =	stream.linear.scatter [tilespmem:s18], [sflag:$0x1], $0x200, $0x38;
	[tilespmem:$0x2B80] =	vst v63  }
0x14: {  	s20 =	sadd.s32 $0x1, s20;
	_ =	swait.ge [sflag:s14], $0x200  }
0x15: {  	p1 =	sne.s32 s20, s11;
	[sflag:s14] =	ssyncset.done $0x0  }
.Ltmp1:
0x16: {  	[sflag:s14] =	ssyncadd.s32 $0xFFFFFE00;
	(pc) =	sbr.rel @!p1 .LBB2_6-.Ltmp1, $4  }
0x17: {  	[hbm4b:s10+s2] =	stream.linear.scatter [tilespmem:s19], [sflag:$0x1], $0x200, $0x38;
	[tilespmem:$0x2B80] =	vst v63  }
0x18: {  	_ =	swait.ge [sflag:s14], $0x200  }
0x19: {  	[sflag:s14] =	ssyncset.done $0x0  }
0x1a: {  	[sflag:s14] =	ssyncadd.s32 $0xFFFFFE00  }
.LBB2_1:
0x1b: {  	[tilespmem:s2], [sflag:$0x1] =	stream.linear.gather [hbm4b:s3+s2], $0xC80, $0x38;
	[tilespmem:$0x2B80] =	vst v63  }
0x1c: {  	_ =	swait.ge [sflag:s14], $0xC80  }
0x1d: {  	[sflag:s14] =	ssyncset.done $0x0  }
0x1e: {  	[sflag:s14] =	ssyncadd.s32 $0xFFFFF380  }
0x1f: {  	[tilespmem:s15], [sflag:$0x1] =	stream.linear.gather [hbm4b:s5+s2], $0xC80, $0x38;
	[tilespmem:$0x2B80] =	vst v63  }
0x20: {  	_ =	swait.ge [sflag:s14], $0xC80  }
0x21: {  	[sflag:s14] =	ssyncset.done $0x0  }
0x22: {  	[sflag:s14] =	ssyncadd.s32 $0xFFFFF380  }
0x23: {  	[tilespmem:s16], [sflag:$0x1] =	stream.linear.gather [hbm4b:s6+s2], $0xC80, $0x38;
	[tilespmem:$0x2B80] =	vst v63  }
0x24: {  	_ =	swait.ge [sflag:s14], $0xC80  }
0x25: {  	[sflag:s14] =	ssyncset.done $0x0  }
0x26: {  	[sflag:s14] =	ssyncadd.s32 $0xFFFFF380  }
0x27: {  	[tilespmem:$0x2580] =	vst v0  }
0x28: {  	[tilespmem:$0x2780] =	vst v0  }
0x29: {  	[tilespmem:$0x2980] =	vst v0  }
0x2a: {  	[tilespmem:$0x2590] =	vst v0  }
0x2b: {  	[tilespmem:$0x2790] =	vst v0  }
0x2c: {  	[tilespmem:$0x2990] =	vst v0  }
0x2d: {  	[tilespmem:$0x25A0] =	vst v0  }
0x2e: {  	[tilespmem:$0x27A0] =	vst v0  }
0x2f: {  	[tilespmem:$0x29A0] =	vst v0  }
0x30: {  	[tilespmem:$0x25B0] =	vst v0  }
0x31: {  	[tilespmem:$0x27B0] =	vst v0  }
0x32: {  	[tilespmem:$0x29B0] =	vst v0  }
0x33: {  	[tilespmem:$0x25C0] =	vst v0  }
0x34: {  	[tilespmem:$0x27C0] =	vst v0  }
0x35: {  	[tilespmem:$0x29C0] =	vst v0  }
0x36: {  	[tilespmem:$0x25D0] =	vst v0  }
0x37: {  	[tilespmem:$0x27D0] =	vst v0  }
0x38: {  	[tilespmem:$0x29D0] =	vst v0  }
0x39: {  	[tilespmem:$0x25E0] =	vst v0  }
0x3a: {  	[tilespmem:$0x27E0] =	vst v0  }
0x3b: {  	[tilespmem:$0x29E0] =	vst v0  }
0x3c: {  	[tilespmem:$0x25F0] =	vst v0  }
0x3d: {  	[tilespmem:$0x27F0] =	vst v0  }
0x3e: {  	[tilespmem:$0x29F0] =	vst v0  }
0x3f: {  	[tilespmem:$0x2600] =	vst v0  }
0x40: {  	[tilespmem:$0x2800] =	vst v0  }
0x41: {  	[tilespmem:$0x2A00] =	vst v0  }
0x42: {  	[tilespmem:$0x2610] =	vst v0  }
0x43: {  	[tilespmem:$0x2810] =	vst v0  }
0x44: {  	[tilespmem:$0x2A10] =	vst v0  }
0x45: {  	[tilespmem:$0x2620] =	vst v0  }
0x46: {  	[tilespmem:$0x2820] =	vst v0  }
0x47: {  	[tilespmem:$0x2A20] =	vst v0  }
0x48: {  	[tilespmem:$0x2630] =	vst v0  }
0x49: {  	[tilespmem:$0x2830] =	vst v0  }
0x4a: {  	[tilespmem:$0x2A30] =	vst v0  }
0x4b: {  	[tilespmem:$0x2640] =	vst v0  }
0x4c: {  	[tilespmem:$0x2840] =	vst v0  }
0x4d: {  	[tilespmem:$0x2A40] =	vst v0  }
0x4e: {  	[tilespmem:$0x2650] =	vst v0  }
0x4f: {  	[tilespmem:$0x2850] =	vst v0  }
0x50: {  	[tilespmem:$0x2A50] =	vst v0  }
0x51: {  	[tilespmem:$0x2660] =	vst v0  }
0x52: {  	[tilespmem:$0x2860] =	vst v0  }
0x53: {  	[tilespmem:$0x2A60] =	vst v0  }
0x54: {  	[tilespmem:$0x2670] =	vst v0  }
0x55: {  	[tilespmem:$0x2870] =	vst v0  }
0x56: {  	[tilespmem:$0x2A70] =	vst v0  }
0x57: {  	[tilespmem:$0x2680] =	vst v0  }
0x58: {  	[tilespmem:$0x2880] =	vst v0  }
0x59: {  	[tilespmem:$0x2A80] =	vst v0  }
0x5a: {  	[tilespmem:$0x2690] =	vst v0  }
0x5b: {  	[tilespmem:$0x2890] =	vst v0  }
0x5c: {  	[tilespmem:$0x2A90] =	vst v0  }
0x5d: {  	[tilespmem:$0x26A0] =	vst v0  }
0x5e: {  	[tilespmem:$0x28A0] =	vst v0  }
0x5f: {  	[tilespmem:$0x2AA0] =	vst v0  }
0x60: {  	[tilespmem:$0x26B0] =	vst v0  }
0x61: {  	[tilespmem:$0x28B0] =	vst v0  }
0x62: {  	[tilespmem:$0x2AB0] =	vst v0  }
0x63: {  	[tilespmem:$0x26C0] =	vst v0  }
0x64: {  	[tilespmem:$0x28C0] =	vst v0  }
0x65: {  	[tilespmem:$0x2AC0] =	vst v0  }
0x66: {  	[tilespmem:$0x26D0] =	vst v0  }
0x67: {  	[tilespmem:$0x28D0] =	vst v0  }
0x68: {  	[tilespmem:$0x2AD0] =	vst v0  }
0x69: {  	[tilespmem:$0x26E0] =	vst v0  }
0x6a: {  	[tilespmem:$0x28E0] =	vst v0  }
0x6b: {  	[tilespmem:$0x2AE0] =	vst v0  }
0x6c: {  	[tilespmem:$0x26F0] =	vst v0  }
0x6d: {  	[tilespmem:$0x28F0] =	vst v0  }
0x6e: {  	[tilespmem:$0x2AF0] =	vst v0  }
0x6f: {  	[tilespmem:$0x2700] =	vst v0  }
0x70: {  	[tilespmem:$0x2900] =	vst v0  }
0x71: {  	[tilespmem:$0x2B00] =	vst v0  }
0x72: {  	[tilespmem:$0x2710] =	vst v0  }
0x73: {  	[tilespmem:$0x2910] =	vst v0  }
0x74: {  	[tilespmem:$0x2B10] =	vst v0  }
0x75: {  	[tilespmem:$0x2720] =	vst v0  }
0x76: {  	[tilespmem:$0x2920] =	vst v0  }
0x77: {  	[tilespmem:$0x2B20] =	vst v0  }
0x78: {  	[tilespmem:$0x2730] =	vst v0  }
0x79: {  	[tilespmem:$0x2930] =	vst v0  }
0x7a: {  	[tilespmem:$0x2B30] =	vst v0  }
0x7b: {  	[tilespmem:$0x2740] =	vst v0  }
0x7c: {  	[tilespmem:$0x2940] =	vst v0  }
0x7d: {  	[tilespmem:$0x2B40] =	vst v0  }
0x7e: {  	[tilespmem:$0x2750] =	vst v0  }
0x7f: {  	[tilespmem:$0x2950] =	vst v0  }
0x80: {  	[tilespmem:$0x2B50] =	vst v0  }
0x81: {  	[tilespmem:$0x2760] =	vst v0  }
0x82: {  	[tilespmem:$0x2960] =	vst v0  }
0x83: {  	[tilespmem:$0x2B60] =	vst v0  }
0x84: {  	[tilespmem:$0x2770] =	vst v0  }
0x85: {  	[tilespmem:$0x2970] =	vst v0  }
0x86: {  	s23 =	simm.s32 $0x20;
	[tilespmem:$0x2B70] =	vst v0  }
0x87: {  	v4 =	vld [tilespmem:s23+$0x10]  }
0x88: {  	s22 =	simm.s32 $0xCA0;
	v2 =	vld [tilespmem:s23+$0xFFFFFFF0]  }
0x89: {  	v5 =	vld [tilespmem:s22+$0x10]  }
0x8a: {  	v6 =	vld [tilespmem:s23+$0xFFFFFFE0]  }
0x8b: {  	v7 =	vld [tilespmem:s22+$0xFFFFFFF0]  }
0x8c: {  	v3 =	vld [tilespmem:s23+$0x0]  }
0x8d: {  	v8 =	vld [tilespmem:s22+$0xFFFFFFE0]  }
0x8e: {  	v9 =	vld [tilespmem:s22+$0x0]  }
0x8f: {  	[tilespmem:v4+s17+$0x0] =	vst.idx.add.f32.msk $0xffff, v5  }
0x90: {  	s21 =	simm.s32 $0x1920;
	[tilespmem:v2+s17+$0x0] =	vst.idx.add.f32.msk $0xffff, v7  }
0x91: {  	v5 =	vld [tilespmem:s21+$0x10]  }
0x92: {  	[tilespmem:v6+s17+$0x0] =	vst.idx.add.f32.msk $0xffff, v8  }
0x93: {  	v7 =	vld [tilespmem:s21+$0xFFFFFFE0];
	_ =	sdelay $0x1  }
0x94: {  	[tilespmem:v3+s17+$0x0] =	vst.idx.add.f32.msk $0xffff, v9  }
0x95: {  	[tilespmem:v4+s18+$0x0] =	vst.idx.add.f32.msk $0xffff, v5  }
0x96: {  	p1 =	sgt.u32 s7, $0x40;
	v5 =	vld [tilespmem:s21+$0xFFFFFFF0]  }
.Ltmp2:
0x97: {  	[tilespmem:v6+s18+$0x0] =	vst.idx.add.f32.msk $0xffff, v7;
	(pc) =	sbr.rel @!p1 .LBB2_3-.Ltmp2, $4  }
0x98: {  	[tilespmem:v4+s19+$0x0] =	vst.idx.add.f32.msk $0xffff, v1  }
0x99: {  	v4 =	vld [tilespmem:s21+$0x0]  }
0x9a: {  	[tilespmem:v6+s19+$0x0] =	vst.idx.add.f32.msk $0xffff, v1  }
0x9b: {  	s24 =	simm.s32 $0x60;
	s23 =	simm.s32 $0x40;
	[tilespmem:v2+s18+$0x0] =	vst.idx.add.f32.msk $0xffff, v5  }
.LBB2_2:
0x9c: {  	v5 =	vld [tilespmem:s24+$0x10]  }
0x9d: {  	s23 =	sadd.s32 $0x40, s23;
	v6 =	vld [tilespmem:s24+$0xFFFFFFF0]  }
0x9e: {  	s22 =	sadd.s32 $0x40, s22;
	p1 =	slt.u32 s23, s7;
	v7 =	vld [tilespmem:s24+$0x0]  }
0x9f: {  	v8 =	vld [tilespmem:s22+$0x10]  }
0xa0: {  	v9 =	vld [tilespmem:s24+$0xFFFFFFE0]  }
0xa1: {  	v10 =	vld [tilespmem:s22+$0xFFFFFFE0]  }
0xa2: {  	v11 =	vld [tilespmem:s22+$0xFFFFFFF0]  }
0xa3: {  	v12 =	vld [tilespmem:s22+$0x0]  }
0xa4: {  	s21 =	sadd.s32 $0x40, s21;
	[tilespmem:v5+s17+$0x0] =	vst.idx.add.f32.msk $0xffff, v8  }
0xa5: {  	v8 =	vld [tilespmem:s21+$0x10]  }
0xa6: {  	[tilespmem:v2+s19+$0x0] =	vst.idx.add.f32.msk $0xffff, v1;
	v2 =	vmov v6  }
0xa7: {  	[tilespmem:v6+s17+$0x0] =	vst.idx.add.f32.msk $0xffff, v11  }
0xa8: {  	[tilespmem:v9+s17+$0x0] =	vst.idx.add.f32.msk $0xffff, v10  }
0xa9: {  	[tilespmem:v7+s17+$0x0] =	vst.idx.add.f32.msk $0xffff, v12  }
0xaa: {  	[tilespmem:v5+s18+$0x0] =	vst.idx.add.f32.msk $0xffff, v8  }
0xab: {  	[tilespmem:v5+s19+$0x0] =	vst.idx.add.f32.msk $0xffff, v1  }
0xac: {  	v5 =	vld [tilespmem:s21+$0xFFFFFFE0]  }
0xad: {  	v6 =	vld [tilespmem:s21+$0xFFFFFFF0]  }
0xae: {  	v8 =	vld [tilespmem:s21+$0x0]  }
.Ltmp3:
0xaf: {  	[tilespmem:v3+s18+$0x0] =	vst.idx.add.f32.msk $0xffff, v4;
	(pc) =	sbr.rel @p1 .LBB2_2-.Ltmp3, $4  }
0xb0: {  	[tilespmem:v3+s19+$0x0] =	vst.idx.add.f32.msk $0xffff, v1;
	v3 =	vmov v7  }
0xb1: {  	[tilespmem:v9+s18+$0x0] =	vst.idx.add.f32.msk $0xffff, v5  }
0xb2: {  	[tilespmem:v9+s19+$0x0] =	vst.idx.add.f32.msk $0xffff, v1  }
0xb3: {  	s24 =	sadd.s32 $0x40, s24;
	[tilespmem:v2+s18+$0x0] =	vst.idx.add.f32.msk $0xffff, v6;
	v4 =	vmov v8  }
.LBB2_3:
0xb4: {  	_ =	sdelay $0x1  }
.Ltmp4:
0xb5: {  	_ = 	snop;
	(pc) =	sbr.rel @p0 .LBB2_5-.Ltmp4, $4  }
0xb6: {  	_ = 	snop  }
0xb7: {  	[tilespmem:v2+s19+$0x0] =	vst.idx.add.f32.msk $0xffff, v1  }
0xb8: {  	s21 =	smov.u32 s7;
	[tilespmem:v3+s18+$0x0] =	vst.idx.add.f32.msk $0xffff, v4  }
0xb9: {  	s22 =	smov.u32 s13;
	s23 =	smov.u32 s12;
	s24 =	smov.u32 s7;
	[tilespmem:v3+s19+$0x0] =	vst.idx.add.f32.msk $0xffff, v1  }
.LBB2_4:
0xba: {  	v2 =	vld [tilespmem:s21+$0x0];
	_ =	sdelay $0x2  }
0xbb: {  	v3 =	vld [tilespmem:s22+$0x0];
	_ =	sdelay $0x4  }
0xbc: {  	[tilespmem:v2+s17+$0x0] =	vst.idx.add.f32.msk $0xffff, v3  }
0xbd: {  	s24 =	sadd.s32 $0x10, s24;
	v3 =	vld [tilespmem:s23+$0x0]  }
0xbe: {  	p1 =	slt.u32 s24, s4  }
.Ltmp5:
0xbf: {  	_ = 	snop;
	(pc) =	sbr.rel @p1 .LBB2_4-.Ltmp5, $3  }
0xc0: {  	_ =	sdelay $0x1  }
0xc1: {  	[tilespmem:v2+s18+$0x0] =	vst.idx.add.f32.msk $0xffff, v3  }
0xc2: {  	s22 =	sadd.s32 $0x10, s22;
	s21 =	sadd.s32 $0x10, s21;
	s23 =	sadd.s32 $0x10, s23;
	[tilespmem:v2+s19+$0x0] =	vst.idx.add.f32.msk $0xffff, v1  }
.Ltmp6:
0xc3: {  	_ = 	snop;
	(pc) =	sbr.rel .LBB2_5-.Ltmp6, $1  }
0xc4: {  	_ =	sdelay $0x3  }
.LBB2_6:
0xc5: {  	_ =	sfence.sel $0x180000  }
0xc6: {  	[bflag:$0x0] =	sbarrier.arrive $0xFFFF  }
0xc7: {  	p0 =	sne.s32 s0, $0x0;
	_ =	strace $0x90000047  }
0xc8: {  	s0 =	sadd.s32 @!p0 $0x100000, s1;
	[bflag:$0x2] =	sbarrier.arrive $0xFFFF  }
0xc9: {  	[sflag:s0] =	ssyncadd.tile.s32 @!p0 $0x1;
	_ =	shalt  }
.Lfunc_end2:
_tile_overlayer_lowered:
.L_overlay_start_2:
0xca: {  	(tag) =	ssettag $0x2  }
0xcb: {  	s0 =	rddreg [dreg:$0x0];
	s2 =	stileid.u32  }
0xcc: {  	s1 =	rddreg [dreg:$0x1];
	p0 =	sne.s32 s2, $0x0  }
0xcd: {  	s3 =	rddreg [dreg:$0x2];
	[bflag:$0x3] =	sbarrier.arrive $0xFFFF;
	s2 =	simm.s32 @!p0 $0x1C01  }
0xce: {  	[timem:s3], [sflag:s2] =	dma.local @!p0 [hbm:s0], s1  }
0xcf: {  	s0 =	simm.s32 @!p0 $0x1  }
0xd0: {  	_ =	swait.ge @!p0 [sflag:s0], s1  }
0xd1: {  	s1 =	ssub.s32 @!p0 $0x0, s1;
	[sflag:s0] =	ssyncset.done @!p0 $0x0  }
0xd2: {  	[sflag:s0] =	ssyncadd.s32 @!p0 s1  }
0xd3: {  	[bflag:$0x3] =	sbarrier.arrive $0xFFFF  }
0xd4: {  	_ =	shalt  }

</sc_bundles>
